<compile_context>
chip_gen: v7x
topology: tpu7x:2x2x1
jax: 0.10.2.dev20260603
libtpu: 0.0.44.dev20260713+nightly
codegen_flags: <defaults>
</compile_context>

<pallas_src>
import functools

import jax
import jax.numpy as jnp
from jax import lax
from jax.experimental import pallas as pl
from jax.experimental.pallas import tpu as pltpu
from jax.experimental.pallas import tpu_sc as plsc

N = 10000
E = 320000
D = 128
G = 64

NC = 2
NS = 16
NW = NC * NS
K = 88
NCHUNK = 114
EPW = NCHUNK * K
EPAD = NW * EPW
NPAD = 10240
RPT = NPAD // NS
DUMMY = NPAD - 8


def _sc_aggregate(h, src, dst, zeros):
    mesh = plsc.VectorSubcoreMesh(core_axis_name="c", subcore_axis_name="s")

    @functools.partial(
        pl.kernel,
        out_type=jax.ShapeDtypeStruct((NC, NPAD, D), jnp.float32),
        mesh=mesh,
        scratch_types=[
            [pltpu.VMEM((K,), jnp.int32)] * 3,
            [pltpu.VMEM((K,), jnp.int32)] * 3,
            [pltpu.VMEM((K, D), jnp.float32)] * 3,
            pltpu.VMEM_SHARED((NPAD, D), jnp.float32),
            [pltpu.SemaphoreType.DMA] * 3,
        ],
    )
    def agg(h_hbm, src_hbm, dst_hbm, zero_hbm, out_hbm,
            src_v, dst_v, rows_v, acc_sh, sems):
        c = lax.axis_index("c")
        s = lax.axis_index("s")
        wid = s * NC + c
        r0 = s * RPT
        pltpu.sync_copy(zero_hbm.at[pl.ds(r0, RPT)], acc_sh.at[pl.ds(r0, RPT)])
        plsc.subcore_barrier()

        base0 = wid * EPW

        for b in range(3):
            pltpu.sync_copy(src_hbm.at[pl.ds(base0 + b * K, K)], src_v[b])
            pltpu.sync_copy(dst_hbm.at[pl.ds(base0 + b * K, K)], dst_v[b])
            pltpu.async_copy(h_hbm.at[src_v[b]], rows_v[b], sems[b])

        @pl.loop(0, NCHUNK, step=3)
        def chunk(i):
            for b in range(3):
                pltpu.make_async_copy(h_hbm.at[src_v[b]], rows_v[b],
                                      sems[b]).wait()
                pltpu.sync_copy(rows_v[b], acc_sh.at[dst_v[b]], add=True)
                nxt = i + b + 3

                @pl.when(nxt < NCHUNK)
                def _():
                    base = base0 + nxt * K
                    pltpu.sync_copy(src_hbm.at[pl.ds(base, K)], src_v[b])
                    pltpu.sync_copy(dst_hbm.at[pl.ds(base, K)], dst_v[b])
                    pltpu.async_copy(h_hbm.at[src_v[b]], rows_v[b], sems[b])

        plsc.subcore_barrier()
        pltpu.sync_copy(acc_sh.at[pl.ds(r0, RPT)],
                        out_hbm.at[c, pl.ds(r0, RPT)])

    return agg(h, src, dst, zeros)


def _tc_layer_body(h_ref, a_ref, batch_ref, W1_ref, b1_ref, g_ref, be_ref,
                   W2_ref, b2_ref, hout_ref, pooled_ref):
    z = h_ref[...] + a_ref[0, :N] + a_ref[1, :N]
    t = jnp.dot(z, W1_ref[...], preferred_element_type=jnp.float32)
    t = t + b1_ref[...]
    m = jnp.mean(t, axis=0, keepdims=True)
    v = jnp.mean((t - m) * (t - m), axis=0, keepdims=True)
    t = (t - m) / jnp.sqrt(v + 1e-5) * g_ref[...] + be_ref[...]
    t = jnp.maximum(t, 0.0)
    ho = jnp.dot(t, W2_ref[...], preferred_element_type=jnp.float32)
    ho = ho + b2_ref[...]
    hout_ref[...] = ho
    onehot = (lax.broadcasted_iota(jnp.int32, (G, N), 0)
              == batch_ref[...]).astype(jnp.float32)
    pooled_ref[...] = jnp.dot(onehot, ho, preferred_element_type=jnp.float32, precision=lax.Precision.HIGHEST)


def _tc_layer(h, aggr2, batch_row, W1, b1, g, be, W2, b2):
    return pl.pallas_call(
        _tc_layer_body,
        out_shape=(
            jax.ShapeDtypeStruct((N, D), jnp.float32),
            jax.ShapeDtypeStruct((G, D), jnp.float32),
        ),
    )(h, aggr2, batch_row, W1, b1.reshape(1, D), g.reshape(1, D),
      be.reshape(1, D), W2, b2.reshape(1, D))


def _tc_final_body(xc_ref, Wp1_ref, bp1_ref, gp_ref, bep_ref, Wp2_ref,
                   bp2_ref, out_ref):
    t = jnp.dot(xc_ref[...], Wp1_ref[...], preferred_element_type=jnp.float32)
    t = t + bp1_ref[...]
    m = jnp.mean(t, axis=0, keepdims=True)
    v = jnp.mean((t - m) * (t - m), axis=0, keepdims=True)
    t = (t - m) / jnp.sqrt(v + 1e-5) * gp_ref[...] + bep_ref[...]
    t = jnp.maximum(t, 0.0)
    o = jnp.dot(t, Wp2_ref[...], preferred_element_type=jnp.float32)
    out_ref[...] = o + bp2_ref[...]


def _tc_final(xc, Wp1, bp1, gp, bep, Wp2, bp2):
    OUT = Wp2.shape[1]
    return pl.pallas_call(
        _tc_final_body,
        out_shape=jax.ShapeDtypeStruct((G, OUT), jnp.float32),
    )(xc, Wp1, bp1.reshape(1, -1), gp.reshape(1, -1), bep.reshape(1, -1),
      Wp2, bp2.reshape(1, -1))


def kernel(x, edge_index, batch, W1_0, b1_0, g_0, be_0, W2_0, b2_0,
           W1_1, b1_1, g_1, be_1, W2_1, b2_1,
           W1_2, b1_2, g_2, be_2, W2_2, b2_2,
           Wp1, bp1, gp, bep, Wp2, bp2):
    pad = EPAD - E
    src = jnp.concatenate(
        [edge_index[0], jnp.arange(pad, dtype=jnp.int32) % N])
    dst = jnp.concatenate(
        [edge_index[1], N + (jnp.arange(pad, dtype=jnp.int32) % (NPAD - N))])
    zeros = jnp.zeros((NPAD, D), jnp.float32)
    batch_row = batch.reshape(1, N)

    params = [
        (W1_0, b1_0, g_0, be_0, W2_0, b2_0),
        (W1_1, b1_1, g_1, be_1, W2_1, b2_1),
        (W1_2, b1_2, g_2, be_2, W2_2, b2_2),
    ]
    h = x
    pooled = []
    for (W1, b1, g, be, W2, b2) in params:
        aggr2 = _sc_aggregate(h, src, dst, zeros)
        h, p = _tc_layer(h, aggr2, batch_row, W1, b1, g, be, W2, b2)
        pooled.append(p)

    xc = jnp.concatenate(pooled, axis=1)
    return _tc_final(xc, Wp1, bp1, gp, bep, Wp2, bp2)

# --- scband reference (transcript-rebuilt; emitter-appended) ---
"""Pipeline reference for scband-gin-classic-31482110280433 (READ-ONLY COPY).

The authoritative reference and input builder live on the scoring server;
editing this copy changes nothing except your own understanding.
"""

import jax, jax.numpy as jnp
import numpy as np

N = 10000
E = 320000
D = 128
H = 128
L = 3
G = 64
OUT = 16


def _mlp(h, W1, b1, g, be, W2, b2):
    # PyG MLP([in, h, h], act='relu'): Linear -> BatchNorm -> ReLU -> Linear
    h = h @ W1 + b1
    m = h.mean(axis=0)
    v = h.var(axis=0)
    h = (h - m) / jnp.sqrt(v + 1e-5) * g + be
    h = jax.nn.relu(h)
    return h @ W2 + b2


def setup_inputs(seed: int = 0) -> dict:
    key = jax.random.key(seed)
    ks = jax.random.split(key, 40)
    inp = {}
    inp["x"] = jax.random.normal(ks[0], (N, D), dtype=jnp.float32)
    inp["edge_index"] = jax.random.randint(ks[1], (2, E), 0, N, dtype=jnp.int32)
    inp["batch"] = jnp.sort(jax.random.randint(ks[2], (N,), 0, G, dtype=jnp.int32))
    i = 3
    fan = D
    for l in range(L):
        inp[f"W1_{l}"] = jax.random.normal(ks[i], (fan, H), dtype=jnp.float32) / np.sqrt(fan); i += 1
        inp[f"b1_{l}"] = jnp.zeros((H,), jnp.float32)
        inp[f"g_{l}"] = jnp.ones((H,), jnp.float32)
        inp[f"be_{l}"] = jnp.zeros((H,), jnp.float32)
        inp[f"W2_{l}"] = jax.random.normal(ks[i], (H, H), dtype=jnp.float32) / np.sqrt(H); i += 1
        inp[f"b2_{l}"] = jnp.zeros((H,), jnp.float32)
        fan = H
    inp["Wp1"] = jax.random.normal(ks[i], (H * L, H), dtype=jnp.float32) / np.sqrt(H * L); i += 1
    inp["bp1"] = jnp.zeros((H,), jnp.float32)
    inp["gp"] = jnp.ones((H,), jnp.float32)
    inp["bep"] = jnp.zeros((H,), jnp.float32)
    inp["Wp2"] = jax.random.normal(ks[i], (H, OUT), dtype=jnp.float32) / np.sqrt(H); i += 1
    inp["bp2"] = jnp.zeros((OUT,), jnp.float32)
    return inp


def reference(x, edge_index, batch, W1_0, b1_0, g_0, be_0, W2_0, b2_0, W1_1, b1_1, g_1, be_1, W2_1, b2_1, W1_2, b1_2, g_2, be_2, W2_2, b2_2, Wp1, bp1, gp, bep, Wp2, bp2):
    src, dst = edge_index[0], edge_index[1]
    params = [
        (W1_0, b1_0, g_0, be_0, W2_0, b2_0),
        (W1_1, b1_1, g_1, be_1, W2_1, b2_1),
        (W1_2, b1_2, g_2, be_2, W2_2, b2_2),
    ]
    h = x
    pooled = []
    for (W1, b1, g, be, W2, b2) in params:
        # GINConv, eps=0: nn((1+eps)*x + sum_{j in N(i)} x_j)
        aggr = jnp.zeros_like(h).at[dst].add(h[src])
        h = _mlp(h + aggr, W1, b1, g, be, W2, b2)
        # global_add_pool per graph
        pooled.append(jax.ops.segment_sum(h, batch, num_segments=G))
    xc = jnp.concatenate(pooled, axis=1)
    return _mlp(xc, Wp1, bp1, gp, bep, Wp2, bp2)

if __name__ == "__main__":
    import jax
    _d = setup_inputs()
    print(jax.jit(kernel)(*tuple(_d.values())))

</pallas_src>

<mosaic_0001>
#map = affine_map<(d0, d1) -> (0, 0)>
#map1 = affine_map<(d0, d1) -> (0)>
#map2 = affine_map<(d0, d1) -> (0, 0, 0)>
module attributes {stable_mosaic.version = 14 : i64} {
  func.func @agg(%arg0: i32, %arg1: i32, %arg2: memref<10000x128xf32, #tpu.memory_space<hbm>>, %arg3: memref<321024xi32, #tpu.memory_space<hbm>>, %arg4: memref<321024xi32, #tpu.memory_space<hbm>>, %arg5: memref<10240x128xf32, #tpu.memory_space<hbm>>, %arg6: memref<2x10240x128xf32, #tpu.memory_space<hbm>>, %arg7: memref<88xi32, #tpu.memory_space<vmem>>, %arg8: memref<88xi32, #tpu.memory_space<vmem>>, %arg9: memref<88xi32, #tpu.memory_space<vmem>>, %arg10: memref<88xi32, #tpu.memory_space<vmem>>, %arg11: memref<88xi32, #tpu.memory_space<vmem>>, %arg12: memref<88xi32, #tpu.memory_space<vmem>>, %arg13: memref<88x128xf32, #tpu.memory_space<vmem>>, %arg14: memref<88x128xf32, #tpu.memory_space<vmem>>, %arg15: memref<88x128xf32, #tpu.memory_space<vmem>>, %arg16: memref<10240x128xf32, #tpu.memory_space<vmem_shared>>, %arg17: memref<!tpu.dma_semaphore, #tpu.memory_space<semaphore_mem>>, %arg18: memref<!tpu.dma_semaphore, #tpu.memory_space<semaphore_mem>>, %arg19: memref<!tpu.dma_semaphore, #tpu.memory_space<semaphore_mem>>) attributes {dimension_semantics = [#tpu.dimension_semantics<core_parallel>, #tpu.dimension_semantics<subcore_parallel>], iteration_bounds = array<i64: 2, 16>, scalar_prefetch = 0 : i64, scratch_operands = 13 : i64, tpu.core_type = #tpu.core_type<sc_vector_subcore>, window_params = [{transform_indices = #map}, {transform_indices = #map1}, {transform_indices = #map1}, {transform_indices = #map}, {transform_indices = #map2}]} {
    %mul3A = arith.constant 2 : i32
    %mul3A_0 = arith.muli %arg1, %mul3A : i32
    %add3A = arith.addi %mul3A_0, %arg0 : i32
    %mul3A_1 = arith.constant 640 : i32
    %mul3A_2 = arith.muli %arg1, %mul3A_1 : i32
    "tpu.region"() ({
      %run_scoped3A = tpu.sem_alloc : memref<!tpu.dma_semaphore, #tpu.memory_space<semaphore_mem>>
      %dma_start3A_30 = arith.constant 0 : i32
      %dma_start3A_31 = tpu.memref_slice %arg16[%mul3A_2, %dma_start3A_30] : memref<10240x128xf32, #tpu.memory_space<vmem_shared>> -> memref<640x128xf32, #tpu.memory_space<vmem_shared>>
      %dma_start3A_32 = arith.constant 0 : i32
      %dma_start3A_33 = tpu.memref_slice %arg5[%mul3A_2, %dma_start3A_32] : memref<10240x128xf32, #tpu.memory_space<hbm>> -> memref<640x128xf32, #tpu.memory_space<hbm>>
      tpu.enqueue_dma source(%dma_start3A_33 : memref<640x128xf32, #tpu.memory_space<hbm>>) target(%dma_start3A_31 : memref<640x128xf32, #tpu.memory_space<vmem_shared>>) target_semaphore(%run_scoped3A : memref<!tpu.dma_semaphore, #tpu.memory_space<semaphore_mem>>)
      %dma_wait3A = arith.constant 0 : i32
      %dma_wait3A_34 = tpu.memref_slice %arg16[%mul3A_2, %dma_wait3A] : memref<10240x128xf32, #tpu.memory_space<vmem_shared>> -> memref<640x128xf32, #tpu.memory_space<vmem_shared>>
      %dma_wait3A_35 = arith.constant 0 : i32
      %dma_wait3A_36 = tpu.memref_slice %arg5[%mul3A_2, %dma_wait3A_35] : memref<10240x128xf32, #tpu.memory_space<hbm>> -> memref<640x128xf32, #tpu.memory_space<hbm>>
      tpu.wait_dma2 semaphore(%run_scoped3A : memref<!tpu.dma_semaphore, #tpu.memory_space<semaphore_mem>>) src(%dma_wait3A_36 : memref<640x128xf32, #tpu.memory_space<hbm>>) dst(%dma_wait3A_34 : memref<640x128xf32, #tpu.memory_space<vmem_shared>>)
      tpu.yield
    }) : () -> ()
    %barrier3A = arith.constant 0 : index
    tpu.barrier barrier_id(%barrier3A)
    %mul3A_3 = arith.constant 10032 : i32
    %mul3A_4 = arith.muli %add3A, %mul3A_3 : i32
    %add3A_5 = arith.constant 0 : i32
    %add3A_6 = arith.addi %mul3A_4, %add3A_5 : i32
    "tpu.region"() ({
      %run_scoped3A = tpu.sem_alloc : memref<!tpu.dma_semaphore, #tpu.memory_space<semaphore_mem>>
      %dma_start3A_30 = tpu.memref_slice %arg3[%add3A_6] : memref<321024xi32, #tpu.memory_space<hbm>> -> memref<88xi32, #tpu.memory_space<hbm>>
      %dma_start3A_31 = tpu.memref_slice %arg3[%add3A_6] : memref<321024xi32, #tpu.memory_space<hbm>> -> memref<88xi32, #tpu.memory_space<hbm>>
      tpu.enqueue_dma source(%dma_start3A_31 : memref<88xi32, #tpu.memory_space<hbm>>) target(%arg7 : memref<88xi32, #tpu.memory_space<vmem>>) target_semaphore(%run_scoped3A : memref<!tpu.dma_semaphore, #tpu.memory_space<semaphore_mem>>)
      %dma_wait3A = tpu.memref_slice %arg3[%add3A_6] : memref<321024xi32, #tpu.memory_space<hbm>> -> memref<88xi32, #tpu.memory_space<hbm>>
      %dma_wait3A_32 = tpu.memref_slice %arg3[%add3A_6] : memref<321024xi32, #tpu.memory_space<hbm>> -> memref<88xi32, #tpu.memory_space<hbm>>
      tpu.wait_dma2 semaphore(%run_scoped3A : memref<!tpu.dma_semaphore, #tpu.memory_space<semaphore_mem>>) src(%dma_wait3A_32 : memref<88xi32, #tpu.memory_space<hbm>>) dst(%arg7 : memref<88xi32, #tpu.memory_space<vmem>>)
      tpu.yield
    }) : () -> ()
    %add3A_7 = arith.constant 0 : i32
    %add3A_8 = arith.addi %mul3A_4, %add3A_7 : i32
    "tpu.region"() ({
      %run_scoped3A = tpu.sem_alloc : memref<!tpu.dma_semaphore, #tpu.memory_space<semaphore_mem>>
      %dma_start3A_30 = tpu.memref_slice %arg4[%add3A_8] : memref<321024xi32, #tpu.memory_space<hbm>> -> memref<88xi32, #tpu.memory_space<hbm>>
      %dma_start3A_31 = tpu.memref_slice %arg4[%add3A_8] : memref<321024xi32, #tpu.memory_space<hbm>> -> memref<88xi32, #tpu.memory_space<hbm>>
      tpu.enqueue_dma source(%dma_start3A_31 : memref<88xi32, #tpu.memory_space<hbm>>) target(%arg10 : memref<88xi32, #tpu.memory_space<vmem>>) target_semaphore(%run_scoped3A : memref<!tpu.dma_semaphore, #tpu.memory_space<semaphore_mem>>)
      %dma_wait3A = tpu.memref_slice %arg4[%add3A_8] : memref<321024xi32, #tpu.memory_space<hbm>> -> memref<88xi32, #tpu.memory_space<hbm>>
      %dma_wait3A_32 = tpu.memref_slice %arg4[%add3A_8] : memref<321024xi32, #tpu.memory_space<hbm>> -> memref<88xi32, #tpu.memory_space<hbm>>
      tpu.wait_dma2 semaphore(%run_scoped3A : memref<!tpu.dma_semaphore, #tpu.memory_space<semaphore_mem>>) src(%dma_wait3A_32 : memref<88xi32, #tpu.memory_space<hbm>>) dst(%arg10 : memref<88xi32, #tpu.memory_space<vmem>>)
      tpu.yield
    }) : () -> ()
    %dma_start3A = arith.constant 0 : i32
    %dma_start3A_9 = arith.constant 0 : i32
    %dma_start3A_10 = tpu.memref_slice %arg2[%dma_start3A, %dma_start3A_9] : memref<10000x128xf32, #tpu.memory_space<hbm>> -> memref<10000x128xf32, #tpu.memory_space<hbm>>
    tpu.enqueue_indirect_dma source(%dma_start3A_10 : memref<10000x128xf32, #tpu.memory_space<hbm>>) target(%arg13 : memref<88x128xf32, #tpu.memory_space<vmem>>) offsets(%arg7 : memref<88xi32, #tpu.memory_space<vmem>>) semaphore(%arg17 : memref<!tpu.dma_semaphore, #tpu.memory_space<semaphore_mem>>)
    %add3A_11 = arith.constant 88 : i32
    %add3A_12 = arith.addi %mul3A_4, %add3A_11 : i32
    "tpu.region"() ({
      %run_scoped3A = tpu.sem_alloc : memref<!tpu.dma_semaphore, #tpu.memory_space<semaphore_mem>>
      %dma_start3A_30 = tpu.memref_slice %arg3[%add3A_12] : memref<321024xi32, #tpu.memory_space<hbm>> -> memref<88xi32, #tpu.memory_space<hbm>>
      %dma_start3A_31 = tpu.memref_slice %arg3[%add3A_12] : memref<321024xi32, #tpu.memory_space<hbm>> -> memref<88xi32, #tpu.memory_space<hbm>>
      tpu.enqueue_dma source(%dma_start3A_31 : memref<88xi32, #tpu.memory_space<hbm>>) target(%arg8 : memref<88xi32, #tpu.memory_space<vmem>>) target_semaphore(%run_scoped3A : memref<!tpu.dma_semaphore, #tpu.memory_space<semaphore_mem>>)
      %dma_wait3A = tpu.memref_slice %arg3[%add3A_12] : memref<321024xi32, #tpu.memory_space<hbm>> -> memref<88xi32, #tpu.memory_space<hbm>>
      %dma_wait3A_32 = tpu.memref_slice %arg3[%add3A_12] : memref<321024xi32, #tpu.memory_space<hbm>> -> memref<88xi32, #tpu.memory_space<hbm>>
      tpu.wait_dma2 semaphore(%run_scoped3A : memref<!tpu.dma_semaphore, #tpu.memory_space<semaphore_mem>>) src(%dma_wait3A_32 : memref<88xi32, #tpu.memory_space<hbm>>) dst(%arg8 : memref<88xi32, #tpu.memory_space<vmem>>)
      tpu.yield
    }) : () -> ()
    %add3A_13 = arith.constant 88 : i32
    %add3A_14 = arith.addi %mul3A_4, %add3A_13 : i32
    "tpu.region"() ({
      %run_scoped3A = tpu.sem_alloc : memref<!tpu.dma_semaphore, #tpu.memory_space<semaphore_mem>>
      %dma_start3A_30 = tpu.memref_slice %arg4[%add3A_14] : memref<321024xi32, #tpu.memory_space<hbm>> -> memref<88xi32, #tpu.memory_space<hbm>>
      %dma_start3A_31 = tpu.memref_slice %arg4[%add3A_14] : memref<321024xi32, #tpu.memory_space<hbm>> -> memref<88xi32, #tpu.memory_space<hbm>>
      tpu.enqueue_dma source(%dma_start3A_31 : memref<88xi32, #tpu.memory_space<hbm>>) target(%arg11 : memref<88xi32, #tpu.memory_space<vmem>>) target_semaphore(%run_scoped3A : memref<!tpu.dma_semaphore, #tpu.memory_space<semaphore_mem>>)
      %dma_wait3A = tpu.memref_slice %arg4[%add3A_14] : memref<321024xi32, #tpu.memory_space<hbm>> -> memref<88xi32, #tpu.memory_space<hbm>>
      %dma_wait3A_32 = tpu.memref_slice %arg4[%add3A_14] : memref<321024xi32, #tpu.memory_space<hbm>> -> memref<88xi32, #tpu.memory_space<hbm>>
      tpu.wait_dma2 semaphore(%run_scoped3A : memref<!tpu.dma_semaphore, #tpu.memory_space<semaphore_mem>>) src(%dma_wait3A_32 : memref<88xi32, #tpu.memory_space<hbm>>) dst(%arg11 : memref<88xi32, #tpu.memory_space<vmem>>)
      tpu.yield
    }) : () -> ()
    %dma_start3A_15 = arith.constant 0 : i32
    %dma_start3A_16 = arith.constant 0 : i32
    %dma_start3A_17 = tpu.memref_slice %arg2[%dma_start3A_15, %dma_start3A_16] : memref<10000x128xf32, #tpu.memory_space<hbm>> -> memref<10000x128xf32, #tpu.memory_space<hbm>>
    tpu.enqueue_indirect_dma source(%dma_start3A_17 : memref<10000x128xf32, #tpu.memory_space<hbm>>) target(%arg14 : memref<88x128xf32, #tpu.memory_space<vmem>>) offsets(%arg8 : memref<88xi32, #tpu.memory_space<vmem>>) semaphore(%arg18 : memref<!tpu.dma_semaphore, #tpu.memory_space<semaphore_mem>>)
    %add3A_18 = arith.constant 176 : i32
    %add3A_19 = arith.addi %mul3A_4, %add3A_18 : i32
    "tpu.region"() ({
      %run_scoped3A = tpu.sem_alloc : memref<!tpu.dma_semaphore, #tpu.memory_space<semaphore_mem>>
      %dma_start3A_30 = tpu.memref_slice %arg3[%add3A_19] : memref<321024xi32, #tpu.memory_space<hbm>> -> memref<88xi32, #tpu.memory_space<hbm>>
      %dma_start3A_31 = tpu.memref_slice %arg3[%add3A_19] : memref<321024xi32, #tpu.memory_space<hbm>> -> memref<88xi32, #tpu.memory_space<hbm>>
      tpu.enqueue_dma source(%dma_start3A_31 : memref<88xi32, #tpu.memory_space<hbm>>) target(%arg9 : memref<88xi32, #tpu.memory_space<vmem>>) target_semaphore(%run_scoped3A : memref<!tpu.dma_semaphore, #tpu.memory_space<semaphore_mem>>)
      %dma_wait3A = tpu.memref_slice %arg3[%add3A_19] : memref<321024xi32, #tpu.memory_space<hbm>> -> memref<88xi32, #tpu.memory_space<hbm>>
      %dma_wait3A_32 = tpu.memref_slice %arg3[%add3A_19] : memref<321024xi32, #tpu.memory_space<hbm>> -> memref<88xi32, #tpu.memory_space<hbm>>
      tpu.wait_dma2 semaphore(%run_scoped3A : memref<!tpu.dma_semaphore, #tpu.memory_space<semaphore_mem>>) src(%dma_wait3A_32 : memref<88xi32, #tpu.memory_space<hbm>>) dst(%arg9 : memref<88xi32, #tpu.memory_space<vmem>>)
      tpu.yield
    }) : () -> ()
    %add3A_20 = arith.constant 176 : i32
    %add3A_21 = arith.addi %mul3A_4, %add3A_20 : i32
    "tpu.region"() ({
      %run_scoped3A = tpu.sem_alloc : memref<!tpu.dma_semaphore, #tpu.memory_space<semaphore_mem>>
      %dma_start3A_30 = tpu.memref_slice %arg4[%add3A_21] : memref<321024xi32, #tpu.memory_space<hbm>> -> memref<88xi32, #tpu.memory_space<hbm>>
      %dma_start3A_31 = tpu.memref_slice %arg4[%add3A_21] : memref<321024xi32, #tpu.memory_space<hbm>> -> memref<88xi32, #tpu.memory_space<hbm>>
      tpu.enqueue_dma source(%dma_start3A_31 : memref<88xi32, #tpu.memory_space<hbm>>) target(%arg12 : memref<88xi32, #tpu.memory_space<vmem>>) target_semaphore(%run_scoped3A : memref<!tpu.dma_semaphore, #tpu.memory_space<semaphore_mem>>)
      %dma_wait3A = tpu.memref_slice %arg4[%add3A_21] : memref<321024xi32, #tpu.memory_space<hbm>> -> memref<88xi32, #tpu.memory_space<hbm>>
      %dma_wait3A_32 = tpu.memref_slice %arg4[%add3A_21] : memref<321024xi32, #tpu.memory_space<hbm>> -> memref<88xi32, #tpu.memory_space<hbm>>
      tpu.wait_dma2 semaphore(%run_scoped3A : memref<!tpu.dma_semaphore, #tpu.memory_space<semaphore_mem>>) src(%dma_wait3A_32 : memref<88xi32, #tpu.memory_space<hbm>>) dst(%arg12 : memref<88xi32, #tpu.memory_space<vmem>>)
      tpu.yield
    }) : () -> ()
    %dma_start3A_22 = arith.constant 0 : i32
    %dma_start3A_23 = arith.constant 0 : i32
    %dma_start3A_24 = tpu.memref_slice %arg2[%dma_start3A_22, %dma_start3A_23] : memref<10000x128xf32, #tpu.memory_space<hbm>> -> memref<10000x128xf32, #tpu.memory_space<hbm>>
    tpu.enqueue_indirect_dma source(%dma_start3A_24 : memref<10000x128xf32, #tpu.memory_space<hbm>>) target(%arg15 : memref<88x128xf32, #tpu.memory_space<vmem>>) offsets(%arg9 : memref<88xi32, #tpu.memory_space<vmem>>) semaphore(%arg19 : memref<!tpu.dma_semaphore, #tpu.memory_space<semaphore_mem>>)
    %scan3A = arith.constant 0 : i32
    %scan3A_25 = arith.constant 38 : i32
    %scan3A_26 = arith.addi %scan3A, %scan3A_25 : i32
    %scan3A_27 = arith.constant 1 : i32
    scf.for %scan3A_30 = %scan3A to %scan3A_26 step %scan3A_27  : i32 {
      %mul3A_31 = arith.constant 3 : i32
      %mul3A_32 = arith.muli %scan3A_30, %mul3A_31 : i32
      %add3A_33 = arith.constant 0 : i32
      %add3A_34 = arith.addi %add3A_33, %mul3A_32 : i32
      %dma_wait3A = arith.constant 0 : i32
      %dma_wait3A_35 = arith.constant 0 : i32
      %dma_wait3A_36 = tpu.memref_slice %arg2[%dma_wait3A, %dma_wait3A_35] : memref<10000x128xf32, #tpu.memory_space<hbm>> -> memref<10000x128xf32, #tpu.memory_space<hbm>>
      tpu.wait_indirect_dma semaphore(%arg17 : memref<!tpu.dma_semaphore, #tpu.memory_space<semaphore_mem>>) src(%dma_wait3A_36 : memref<10000x128xf32, #tpu.memory_space<hbm>>) dst(%arg13 : memref<88x128xf32, #tpu.memory_space<vmem>>)
      "tpu.region"() ({
        %run_scoped3A = tpu.sem_alloc : memref<!tpu.dma_semaphore, #tpu.memory_space<semaphore_mem>>
        %dma_start3A_67 = arith.constant 0 : i32
        %dma_start3A_68 = arith.constant 0 : i32
        %dma_start3A_69 = tpu.memref_slice %arg16[%dma_start3A_67, %dma_start3A_68] : memref<10240x128xf32, #tpu.memory_space<vmem_shared>> -> memref<10240x128xf32, #tpu.memory_space<vmem_shared>>
        tpu.enqueue_indirect_dma source(%arg13 : memref<88x128xf32, #tpu.memory_space<vmem>>) target(%dma_start3A_69 : memref<10240x128xf32, #tpu.memory_space<vmem_shared>>) offsets(%arg10 : memref<88xi32, #tpu.memory_space<vmem>>) semaphore(%run_scoped3A : memref<!tpu.dma_semaphore, #tpu.memory_space<semaphore_mem>>) {add = true}
        %dma_wait3A_70 = arith.constant 0 : i32
        %dma_wait3A_71 = arith.constant 0 : i32
        %dma_wait3A_72 = tpu.memref_slice %arg16[%dma_wait3A_70, %dma_wait3A_71] : memref<10240x128xf32, #tpu.memory_space<vmem_shared>> -> memref<10240x128xf32, #tpu.memory_space<vmem_shared>>
        tpu.wait_indirect_dma semaphore(%run_scoped3A : memref<!tpu.dma_semaphore, #tpu.memory_space<semaphore_mem>>) src(%arg13 : memref<88x128xf32, #tpu.memory_space<vmem>>) dst(%dma_wait3A_72 : memref<10240x128xf32, #tpu.memory_space<vmem_shared>>)
        tpu.yield
      }) : () -> ()
      %add3A_37 = arith.constant 0 : i32
      %add3A_38 = arith.addi %add3A_34, %add3A_37 : i32
      %add3A_39 = arith.constant 3 : i32
      %add3A_40 = arith.addi %add3A_38, %add3A_39 : i32
      %lt3A = arith.constant 114 : i32
      %lt3A_41 = arith.cmpi slt, %add3A_40, %lt3A : i32
      %convert_element_type3A = arith.extui %lt3A_41 : i1 to i32
      %cond3A = arith.constant 0 : i32
      %cond3A_42 = arith.cmpi ne, %convert_element_type3A, %cond3A : i32
      scf.if %cond3A_42 {
        %mul3A_67 = arith.constant 88 : i32
        %mul3A_68 = arith.muli %add3A_40, %mul3A_67 : i32
        %add3A_69 = arith.addi %mul3A_4, %mul3A_68 : i32
        "tpu.region"() ({
          %run_scoped3A = tpu.sem_alloc : memref<!tpu.dma_semaphore, #tpu.memory_space<semaphore_mem>>
          %dma_start3A_73 = tpu.memref_slice %arg3[%add3A_69] : memref<321024xi32, #tpu.memory_space<hbm>> -> memref<88xi32, #tpu.memory_space<hbm>>
          %dma_start3A_74 = tpu.memref_slice %arg3[%add3A_69] : memref<321024xi32, #tpu.memory_space<hbm>> -> memref<88xi32, #tpu.memory_space<hbm>>
          tpu.enqueue_dma source(%dma_start3A_74 : memref<88xi32, #tpu.memory_space<hbm>>) target(%arg7 : memref<88xi32, #tpu.memory_space<vmem>>) target_semaphore(%run_scoped3A : memref<!tpu.dma_semaphore, #tpu.memory_space<semaphore_mem>>)
          %dma_wait3A_75 = tpu.memref_slice %arg3[%add3A_69] : memref<321024xi32, #tpu.memory_space<hbm>> -> memref<88xi32, #tpu.memory_space<hbm>>
          %dma_wait3A_76 = tpu.memref_slice %arg3[%add3A_69] : memref<321024xi32, #tpu.memory_space<hbm>> -> memref<88xi32, #tpu.memory_space<hbm>>
          tpu.wait_dma2 semaphore(%run_scoped3A : memref<!tpu.dma_semaphore, #tpu.memory_space<semaphore_mem>>) src(%dma_wait3A_76 : memref<88xi32, #tpu.memory_space<hbm>>) dst(%arg7 : memref<88xi32, #tpu.memory_space<vmem>>)
          tpu.yield
        }) : () -> ()
        "tpu.region"() ({
          %run_scoped3A = tpu.sem_alloc : memref<!tpu.dma_semaphore, #tpu.memory_space<semaphore_mem>>
          %dma_start3A_73 = tpu.memref_slice %arg4[%add3A_69] : memref<321024xi32, #tpu.memory_space<hbm>> -> memref<88xi32, #tpu.memory_space<hbm>>
          %dma_start3A_74 = tpu.memref_slice %arg4[%add3A_69] : memref<321024xi32, #tpu.memory_space<hbm>> -> memref<88xi32, #tpu.memory_space<hbm>>
          tpu.enqueue_dma source(%dma_start3A_74 : memref<88xi32, #tpu.memory_space<hbm>>) target(%arg10 : memref<88xi32, #tpu.memory_space<vmem>>) target_semaphore(%run_scoped3A : memref<!tpu.dma_semaphore, #tpu.memory_space<semaphore_mem>>)
          %dma_wait3A_75 = tpu.memref_slice %arg4[%add3A_69] : memref<321024xi32, #tpu.memory_space<hbm>> -> memref<88xi32, #tpu.memory_space<hbm>>
          %dma_wait3A_76 = tpu.memref_slice %arg4[%add3A_69] : memref<321024xi32, #tpu.memory_space<hbm>> -> memref<88xi32, #tpu.memory_space<hbm>>
          tpu.wait_dma2 semaphore(%run_scoped3A : memref<!tpu.dma_semaphore, #tpu.memory_space<semaphore_mem>>) src(%dma_wait3A_76 : memref<88xi32, #tpu.memory_space<hbm>>) dst(%arg10 : memref<88xi32, #tpu.memory_space<vmem>>)
          tpu.yield
        }) : () -> ()
        %dma_start3A_70 = arith.constant 0 : i32
        %dma_start3A_71 = arith.constant 0 : i32
        %dma_start3A_72 = tpu.memref_slice %arg2[%dma_start3A_70, %dma_start3A_71] : memref<10000x128xf32, #tpu.memory_space<hbm>> -> memref<10000x128xf32, #tpu.memory_space<hbm>>
        tpu.enqueue_indirect_dma source(%dma_start3A_72 : memref<10000x128xf32, #tpu.memory_space<hbm>>) target(%arg13 : memref<88x128xf32, #tpu.memory_space<vmem>>) offsets(%arg7 : memref<88xi32, #tpu.memory_space<vmem>>) semaphore(%arg17 : memref<!tpu.dma_semaphore, #tpu.memory_space<semaphore_mem>>)
      } else {
      }
      %dma_wait3A_43 = arith.constant 0 : i32
      %dma_wait3A_44 = arith.constant 0 : i32
      %dma_wait3A_45 = tpu.memref_slice %arg2[%dma_wait3A_43, %dma_wait3A_44] : memref<10000x128xf32, #tpu.memory_space<hbm>> -> memref<10000x128xf32, #tpu.memory_space<hbm>>
      tpu.wait_indirect_dma semaphore(%arg18 : memref<!tpu.dma_semaphore, #tpu.memory_space<semaphore_mem>>) src(%dma_wait3A_45 : memref<10000x128xf32, #tpu.memory_space<hbm>>) dst(%arg14 : memref<88x128xf32, #tpu.memory_space<vmem>>)
      "tpu.region"() ({
        %run_scoped3A = tpu.sem_alloc : memref<!tpu.dma_semaphore, #tpu.memory_space<semaphore_mem>>
        %dma_start3A_67 = arith.constant 0 : i32
        %dma_start3A_68 = arith.constant 0 : i32
        %dma_start3A_69 = tpu.memref_slice %arg16[%dma_start3A_67, %dma_start3A_68] : memref<10240x128xf32, #tpu.memory_space<vmem_shared>> -> memref<10240x128xf32, #tpu.memory_space<vmem_shared>>
        tpu.enqueue_indirect_dma source(%arg14 : memref<88x128xf32, #tpu.memory_space<vmem>>) target(%dma_start3A_69 : memref<10240x128xf32, #tpu.memory_space<vmem_shared>>) offsets(%arg11 : memref<88xi32, #tpu.memory_space<vmem>>) semaphore(%run_scoped3A : memref<!tpu.dma_semaphore, #tpu.memory_space<semaphore_mem>>) {add = true}
        %dma_wait3A_70 = arith.constant 0 : i32
        %dma_wait3A_71 = arith.constant 0 : i32
        %dma_wait3A_72 = tpu.memref_slice %arg16[%dma_wait3A_70, %dma_wait3A_71] : memref<10240x128xf32, #tpu.memory_space<vmem_shared>> -> memref<10240x128xf32, #tpu.memory_space<vmem_shared>>
        tpu.wait_indirect_dma semaphore(%run_scoped3A : memref<!tpu.dma_semaphore, #tpu.memory_space<semaphore_mem>>) src(%arg14 : memref<88x128xf32, #tpu.memory_space<vmem>>) dst(%dma_wait3A_72 : memref<10240x128xf32, #tpu.memory_space<vmem_shared>>)
        tpu.yield
      }) : () -> ()
      %add3A_46 = arith.constant 1 : i32
      %add3A_47 = arith.addi %add3A_34, %add3A_46 : i32
      %add3A_48 = arith.constant 3 : i32
      %add3A_49 = arith.addi %add3A_47, %add3A_48 : i32
      %lt3A_50 = arith.constant 114 : i32
      %lt3A_51 = arith.cmpi slt, %add3A_49, %lt3A_50 : i32
      %convert_element_type3A_52 = arith.extui %lt3A_51 : i1 to i32
      %cond3A_53 = arith.constant 0 : i32
      %cond3A_54 = arith.cmpi ne, %convert_element_type3A_52, %cond3A_53 : i32
      scf.if %cond3A_54 {
        %mul3A_67 = arith.constant 88 : i32
        %mul3A_68 = arith.muli %add3A_49, %mul3A_67 : i32
        %add3A_69 = arith.addi %mul3A_4, %mul3A_68 : i32
        "tpu.region"() ({
          %run_scoped3A = tpu.sem_alloc : memref<!tpu.dma_semaphore, #tpu.memory_space<semaphore_mem>>
          %dma_start3A_73 = tpu.memref_slice %arg3[%add3A_69] : memref<321024xi32, #tpu.memory_space<hbm>> -> memref<88xi32, #tpu.memory_space<hbm>>
          %dma_start3A_74 = tpu.memref_slice %arg3[%add3A_69] : memref<321024xi32, #tpu.memory_space<hbm>> -> memref<88xi32, #tpu.memory_space<hbm>>
          tpu.enqueue_dma source(%dma_start3A_74 : memref<88xi32, #tpu.memory_space<hbm>>) target(%arg8 : memref<88xi32, #tpu.memory_space<vmem>>) target_semaphore(%run_scoped3A : memref<!tpu.dma_semaphore, #tpu.memory_space<semaphore_mem>>)
          %dma_wait3A_75 = tpu.memref_slice %arg3[%add3A_69] : memref<321024xi32, #tpu.memory_space<hbm>> -> memref<88xi32, #tpu.memory_space<hbm>>
          %dma_wait3A_76 = tpu.memref_slice %arg3[%add3A_69] : memref<321024xi32, #tpu.memory_space<hbm>> -> memref<88xi32, #tpu.memory_space<hbm>>
          tpu.wait_dma2 semaphore(%run_scoped3A : memref<!tpu.dma_semaphore, #tpu.memory_space<semaphore_mem>>) src(%dma_wait3A_76 : memref<88xi32, #tpu.memory_space<hbm>>) dst(%arg8 : memref<88xi32, #tpu.memory_space<vmem>>)
          tpu.yield
        }) : () -> ()
        "tpu.region"() ({
          %run_scoped3A = tpu.sem_alloc : memref<!tpu.dma_semaphore, #tpu.memory_space<semaphore_mem>>
          %dma_start3A_73 = tpu.memref_slice %arg4[%add3A_69] : memref<321024xi32, #tpu.memory_space<hbm>> -> memref<88xi32, #tpu.memory_space<hbm>>
          %dma_start3A_74 = tpu.memref_slice %arg4[%add3A_69] : memref<321024xi32, #tpu.memory_space<hbm>> -> memref<88xi32, #tpu.memory_space<hbm>>
          tpu.enqueue_dma source(%dma_start3A_74 : memref<88xi32, #tpu.memory_space<hbm>>) target(%arg11 : memref<88xi32, #tpu.memory_space<vmem>>) target_semaphore(%run_scoped3A : memref<!tpu.dma_semaphore, #tpu.memory_space<semaphore_mem>>)
          %dma_wait3A_75 = tpu.memref_slice %arg4[%add3A_69] : memref<321024xi32, #tpu.memory_space<hbm>> -> memref<88xi32, #tpu.memory_space<hbm>>
          %dma_wait3A_76 = tpu.memref_slice %arg4[%add3A_69] : memref<321024xi32, #tpu.memory_space<hbm>> -> memref<88xi32, #tpu.memory_space<hbm>>
          tpu.wait_dma2 semaphore(%run_scoped3A : memref<!tpu.dma_semaphore, #tpu.memory_space<semaphore_mem>>) src(%dma_wait3A_76 : memref<88xi32, #tpu.memory_space<hbm>>) dst(%arg11 : memref<88xi32, #tpu.memory_space<vmem>>)
          tpu.yield
        }) : () -> ()
        %dma_start3A_70 = arith.constant 0 : i32
        %dma_start3A_71 = arith.constant 0 : i32
        %dma_start3A_72 = tpu.memref_slice %arg2[%dma_start3A_70, %dma_start3A_71] : memref<10000x128xf32, #tpu.memory_space<hbm>> -> memref<10000x128xf32, #tpu.memory_space<hbm>>
        tpu.enqueue_indirect_dma source(%dma_start3A_72 : memref<10000x128xf32, #tpu.memory_space<hbm>>) target(%arg14 : memref<88x128xf32, #tpu.memory_space<vmem>>) offsets(%arg8 : memref<88xi32, #tpu.memory_space<vmem>>) semaphore(%arg18 : memref<!tpu.dma_semaphore, #tpu.memory_space<semaphore_mem>>)
      } else {
      }
      %dma_wait3A_55 = arith.constant 0 : i32
      %dma_wait3A_56 = arith.constant 0 : i32
      %dma_wait3A_57 = tpu.memref_slice %arg2[%dma_wait3A_55, %dma_wait3A_56] : memref<10000x128xf32, #tpu.memory_space<hbm>> -> memref<10000x128xf32, #tpu.memory_space<hbm>>
      tpu.wait_indirect_dma semaphore(%arg19 : memref<!tpu.dma_semaphore, #tpu.memory_space<semaphore_mem>>) src(%dma_wait3A_57 : memref<10000x128xf32, #tpu.memory_space<hbm>>) dst(%arg15 : memref<88x128xf32, #tpu.memory_space<vmem>>)
      "tpu.region"() ({
        %run_scoped3A = tpu.sem_alloc : memref<!tpu.dma_semaphore, #tpu.memory_space<semaphore_mem>>
        %dma_start3A_67 = arith.constant 0 : i32
        %dma_start3A_68 = arith.constant 0 : i32
        %dma_start3A_69 = tpu.memref_slice %arg16[%dma_start3A_67, %dma_start3A_68] : memref<10240x128xf32, #tpu.memory_space<vmem_shared>> -> memref<10240x128xf32, #tpu.memory_space<vmem_shared>>
        tpu.enqueue_indirect_dma source(%arg15 : memref<88x128xf32, #tpu.memory_space<vmem>>) target(%dma_start3A_69 : memref<10240x128xf32, #tpu.memory_space<vmem_shared>>) offsets(%arg12 : memref<88xi32, #tpu.memory_space<vmem>>) semaphore(%run_scoped3A : memref<!tpu.dma_semaphore, #tpu.memory_space<semaphore_mem>>) {add = true}
        %dma_wait3A_70 = arith.constant 0 : i32
        %dma_wait3A_71 = arith.constant 0 : i32
        %dma_wait3A_72 = tpu.memref_slice %arg16[%dma_wait3A_70, %dma_wait3A_71] : memref<10240x128xf32, #tpu.memory_space<vmem_shared>> -> memref<10240x128xf32, #tpu.memory_space<vmem_shared>>
        tpu.wait_indirect_dma semaphore(%run_scoped3A : memref<!tpu.dma_semaphore, #tpu.memory_space<semaphore_mem>>) src(%arg15 : memref<88x128xf32, #tpu.memory_space<vmem>>) dst(%dma_wait3A_72 : memref<10240x128xf32, #tpu.memory_space<vmem_shared>>)
        tpu.yield
      }) : () -> ()
      %add3A_58 = arith.constant 2 : i32
      %add3A_59 = arith.addi %add3A_34, %add3A_58 : i32
      %add3A_60 = arith.constant 3 : i32
      %add3A_61 = arith.addi %add3A_59, %add3A_60 : i32
      %lt3A_62 = arith.constant 114 : i32
      %lt3A_63 = arith.cmpi slt, %add3A_61, %lt3A_62 : i32
      %convert_element_type3A_64 = arith.extui %lt3A_63 : i1 to i32
      %cond3A_65 = arith.constant 0 : i32
      %cond3A_66 = arith.cmpi ne, %convert_element_type3A_64, %cond3A_65 : i32
      scf.if %cond3A_66 {
        %mul3A_67 = arith.constant 88 : i32
        %mul3A_68 = arith.muli %add3A_61, %mul3A_67 : i32
        %add3A_69 = arith.addi %mul3A_4, %mul3A_68 : i32
        "tpu.region"() ({
          %run_scoped3A = tpu.sem_alloc : memref<!tpu.dma_semaphore, #tpu.memory_space<semaphore_mem>>
          %dma_start3A_73 = tpu.memref_slice %arg3[%add3A_69] : memref<321024xi32, #tpu.memory_space<hbm>> -> memref<88xi32, #tpu.memory_space<hbm>>
          %dma_start3A_74 = tpu.memref_slice %arg3[%add3A_69] : memref<321024xi32, #tpu.memory_space<hbm>> -> memref<88xi32, #tpu.memory_space<hbm>>
          tpu.enqueue_dma source(%dma_start3A_74 : memref<88xi32, #tpu.memory_space<hbm>>) target(%arg9 : memref<88xi32, #tpu.memory_space<vmem>>) target_semaphore(%run_scoped3A : memref<!tpu.dma_semaphore, #tpu.memory_space<semaphore_mem>>)
          %dma_wait3A_75 = tpu.memref_slice %arg3[%add3A_69] : memref<321024xi32, #tpu.memory_space<hbm>> -> memref<88xi32, #tpu.memory_space<hbm>>
          %dma_wait3A_76 = tpu.memref_slice %arg3[%add3A_69] : memref<321024xi32, #tpu.memory_space<hbm>> -> memref<88xi32, #tpu.memory_space<hbm>>
          tpu.wait_dma2 semaphore(%run_scoped3A : memref<!tpu.dma_semaphore, #tpu.memory_space<semaphore_mem>>) src(%dma_wait3A_76 : memref<88xi32, #tpu.memory_space<hbm>>) dst(%arg9 : memref<88xi32, #tpu.memory_space<vmem>>)
          tpu.yield
        }) : () -> ()
        "tpu.region"() ({
          %run_scoped3A = tpu.sem_alloc : memref<!tpu.dma_semaphore, #tpu.memory_space<semaphore_mem>>
          %dma_start3A_73 = tpu.memref_slice %arg4[%add3A_69] : memref<321024xi32, #tpu.memory_space<hbm>> -> memref<88xi32, #tpu.memory_space<hbm>>
          %dma_start3A_74 = tpu.memref_slice %arg4[%add3A_69] : memref<321024xi32, #tpu.memory_space<hbm>> -> memref<88xi32, #tpu.memory_space<hbm>>
          tpu.enqueue_dma source(%dma_start3A_74 : memref<88xi32, #tpu.memory_space<hbm>>) target(%arg12 : memref<88xi32, #tpu.memory_space<vmem>>) target_semaphore(%run_scoped3A : memref<!tpu.dma_semaphore, #tpu.memory_space<semaphore_mem>>)
          %dma_wait3A_75 = tpu.memref_slice %arg4[%add3A_69] : memref<321024xi32, #tpu.memory_space<hbm>> -> memref<88xi32, #tpu.memory_space<hbm>>
          %dma_wait3A_76 = tpu.memref_slice %arg4[%add3A_69] : memref<321024xi32, #tpu.memory_space<hbm>> -> memref<88xi32, #tpu.memory_space<hbm>>
          tpu.wait_dma2 semaphore(%run_scoped3A : memref<!tpu.dma_semaphore, #tpu.memory_space<semaphore_mem>>) src(%dma_wait3A_76 : memref<88xi32, #tpu.memory_space<hbm>>) dst(%arg12 : memref<88xi32, #tpu.memory_space<vmem>>)
          tpu.yield
        }) : () -> ()
        %dma_start3A_70 = arith.constant 0 : i32
        %dma_start3A_71 = arith.constant 0 : i32
        %dma_start3A_72 = tpu.memref_slice %arg2[%dma_start3A_70, %dma_start3A_71] : memref<10000x128xf32, #tpu.memory_space<hbm>> -> memref<10000x128xf32, #tpu.memory_space<hbm>>
        tpu.enqueue_indirect_dma source(%dma_start3A_72 : memref<10000x128xf32, #tpu.memory_space<hbm>>) target(%arg15 : memref<88x128xf32, #tpu.memory_space<vmem>>) offsets(%arg9 : memref<88xi32, #tpu.memory_space<vmem>>) semaphore(%arg19 : memref<!tpu.dma_semaphore, #tpu.memory_space<semaphore_mem>>)
      } else {
      }
    }
    %scan3A_28 = arith.constant 38 : i32
    %barrier3A_29 = arith.constant 0 : index
    tpu.barrier barrier_id(%barrier3A_29)
    "tpu.region"() ({
      %run_scoped3A = tpu.sem_alloc : memref<!tpu.dma_semaphore, #tpu.memory_space<semaphore_mem>>
      %dma_start3A_30 = arith.constant 0 : i32
      %dma_start3A_31 = tpu.memref_slice %arg6[%arg0, %mul3A_2, %dma_start3A_30] : memref<2x10240x128xf32, #tpu.memory_space<hbm>> -> memref<1x640x128xf32, #tpu.memory_space<hbm>>
      %dma_start3A_32 = tpu.memref_squeeze %dma_start3A_31 : memref<1x640x128xf32, #tpu.memory_space<hbm>> -> memref<640x128xf32, #tpu.memory_space<hbm>>
      %dma_start3A_33 = arith.constant 0 : i32
      %dma_start3A_34 = tpu.memref_slice %arg16[%mul3A_2, %dma_start3A_33] : memref<10240x128xf32, #tpu.memory_space<vmem_shared>> -> memref<640x128xf32, #tpu.memory_space<vmem_shared>>
      tpu.enqueue_dma source(%dma_start3A_34 : memref<640x128xf32, #tpu.memory_space<vmem_shared>>) target(%dma_start3A_32 : memref<640x128xf32, #tpu.memory_space<hbm>>) target_semaphore(%run_scoped3A : memref<!tpu.dma_semaphore, #tpu.memory_space<semaphore_mem>>)
      %dma_wait3A = arith.constant 0 : i32
      %dma_wait3A_35 = tpu.memref_slice %arg6[%arg0, %mul3A_2, %dma_wait3A] : memref<2x10240x128xf32, #tpu.memory_space<hbm>> -> memref<1x640x128xf32, #tpu.memory_space<hbm>>
      %dma_wait3A_36 = tpu.memref_squeeze %dma_wait3A_35 : memref<1x640x128xf32, #tpu.memory_space<hbm>> -> memref<640x128xf32, #tpu.memory_space<hbm>>
      %dma_wait3A_37 = arith.constant 0 : i32
      %dma_wait3A_38 = tpu.memref_slice %arg16[%mul3A_2, %dma_wait3A_37] : memref<10240x128xf32, #tpu.memory_space<vmem_shared>> -> memref<640x128xf32, #tpu.memory_space<vmem_shared>>
      tpu.wait_dma2 semaphore(%run_scoped3A : memref<!tpu.dma_semaphore, #tpu.memory_space<semaphore_mem>>) src(%dma_wait3A_38 : memref<640x128xf32, #tpu.memory_space<vmem_shared>>) dst(%dma_wait3A_36 : memref<640x128xf32, #tpu.memory_space<hbm>>)
      tpu.yield
    }) : () -> ()
    return
  }
}

#map = affine_map<(d0, d1) -> (0, 0)>
#map1 = affine_map<(d0, d1) -> (0)>
#map2 = affine_map<(d0, d1) -> (0, 0, 0)>
module attributes {stable_mosaic.version = 14 : i64} {
  func.func @agg(%arg0: i32, %arg1: i32, %arg2: memref<10000x128xf32, #tpu.memory_space<hbm>>, %arg3: memref<321024xi32, #tpu.memory_space<hbm>>, %arg4: memref<321024xi32, #tpu.memory_space<hbm>>, %arg5: memref<10240x128xf32, #tpu.memory_space<hbm>>, %arg6: memref<2x10240x128xf32, #tpu.memory_space<hbm>>, %arg7: memref<88xi32, #tpu.memory_space<vmem>>, %arg8: memref<88xi32, #tpu.memory_space<vmem>>, %arg9: memref<88xi32, #tpu.memory_space<vmem>>, %arg10: memref<88xi32, #tpu.memory_space<vmem>>, %arg11: memref<88xi32, #tpu.memory_space<vmem>>, %arg12: memref<88xi32, #tpu.memory_space<vmem>>, %arg13: memref<88x128xf32, #tpu.memory_space<vmem>>, %arg14: memref<88x128xf32, #tpu.memory_space<vmem>>, %arg15: memref<88x128xf32, #tpu.memory_space<vmem>>, %arg16: memref<10240x128xf32, #tpu.memory_space<vmem_shared>>, %arg17: memref<!tpu.dma_semaphore, #tpu.memory_space<semaphore_mem>>, %arg18: memref<!tpu.dma_semaphore, #tpu.memory_space<semaphore_mem>>, %arg19: memref<!tpu.dma_semaphore, #tpu.memory_space<semaphore_mem>>) attributes {dimension_semantics = [#tpu.dimension_semantics<core_parallel>, #tpu.dimension_semantics<subcore_parallel>], iteration_bounds = array<i64: 2, 16>, scalar_prefetch = 0 : i64, scratch_operands = 13 : i64, tpu.core_type = #tpu.core_type<sc_vector_subcore>, window_params = [{transform_indices = #map}, {transform_indices = #map1}, {transform_indices = #map1}, {transform_indices = #map}, {transform_indices = #map2}]} {
    %mul3A = arith.constant 2 : i32
    %mul3A_0 = arith.muli %arg1, %mul3A : i32
    %add3A = arith.addi %mul3A_0, %arg0 : i32
    %mul3A_1 = arith.constant 640 : i32
    %mul3A_2 = arith.muli %arg1, %mul3A_1 : i32
    "tpu.region"() ({
      %run_scoped3A = tpu.sem_alloc : memref<!tpu.dma_semaphore, #tpu.memory_space<semaphore_mem>>
      %dma_start3A_30 = arith.constant 0 : i32
      %dma_start3A_31 = tpu.memref_slice %arg16[%mul3A_2, %dma_start3A_30] : memref<10240x128xf32, #tpu.memory_space<vmem_shared>> -> memref<640x128xf32, #tpu.memory_space<vmem_shared>>
      %dma_start3A_32 = arith.constant 0 : i32
      %dma_start3A_33 = tpu.memref_slice %arg5[%mul3A_2, %dma_start3A_32] : memref<10240x128xf32, #tpu.memory_space<hbm>> -> memref<640x128xf32, #tpu.memory_space<hbm>>
      tpu.enqueue_dma source(%dma_start3A_33 : memref<640x128xf32, #tpu.memory_space<hbm>>) target(%dma_start3A_31 : memref<640x128xf32, #tpu.memory_space<vmem_shared>>) target_semaphore(%run_scoped3A : memref<!tpu.dma_semaphore, #tpu.memory_space<semaphore_mem>>)
      %dma_wait3A = arith.constant 0 : i32
      %dma_wait3A_34 = tpu.memref_slice %arg16[%mul3A_2, %dma_wait3A] : memref<10240x128xf32, #tpu.memory_space<vmem_shared>> -> memref<640x128xf32, #tpu.memory_space<vmem_shared>>
      %dma_wait3A_35 = arith.constant 0 : i32
      %dma_wait3A_36 = tpu.memref_slice %arg5[%mul3A_2, %dma_wait3A_35] : memref<10240x128xf32, #tpu.memory_space<hbm>> -> memref<640x128xf32, #tpu.memory_space<hbm>>
      tpu.wait_dma2 semaphore(%run_scoped3A : memref<!tpu.dma_semaphore, #tpu.memory_space<semaphore_mem>>) src(%dma_wait3A_36 : memref<640x128xf32, #tpu.memory_space<hbm>>) dst(%dma_wait3A_34 : memref<640x128xf32, #tpu.memory_space<vmem_shared>>)
      tpu.yield
    }) : () -> ()
    %barrier3A = arith.constant 0 : index
    tpu.barrier barrier_id(%barrier3A)
    %mul3A_3 = arith.constant 10032 : i32
    %mul3A_4 = arith.muli %add3A, %mul3A_3 : i32
    %add3A_5 = arith.constant 0 : i32
    %add3A_6 = arith.addi %mul3A_4, %add3A_5 : i32
    "tpu.region"() ({
      %run_scoped3A = tpu.sem_alloc : memref<!tpu.dma_semaphore, #tpu.memory_space<semaphore_mem>>
      %dma_start3A_30 = tpu.memref_slice %arg3[%add3A_6] : memref<321024xi32, #tpu.memory_space<hbm>> -> memref<88xi32, #tpu.memory_space<hbm>>
      %dma_start3A_31 = tpu.memref_slice %arg3[%add3A_6] : memref<321024xi32, #tpu.memory_space<hbm>> -> memref<88xi32, #tpu.memory_space<hbm>>
      tpu.enqueue_dma source(%dma_start3A_31 : memref<88xi32, #tpu.memory_space<hbm>>) target(%arg7 : memref<88xi32, #tpu.memory_space<vmem>>) target_semaphore(%run_scoped3A : memref<!tpu.dma_semaphore, #tpu.memory_space<semaphore_mem>>)
      %dma_wait3A = tpu.memref_slice %arg3[%add3A_6] : memref<321024xi32, #tpu.memory_space<hbm>> -> memref<88xi32, #tpu.memory_space<hbm>>
      %dma_wait3A_32 = tpu.memref_slice %arg3[%add3A_6] : memref<321024xi32, #tpu.memory_space<hbm>> -> memref<88xi32, #tpu.memory_space<hbm>>
      tpu.wait_dma2 semaphore(%run_scoped3A : memref<!tpu.dma_semaphore, #tpu.memory_space<semaphore_mem>>) src(%dma_wait3A_32 : memref<88xi32, #tpu.memory_space<hbm>>) dst(%arg7 : memref<88xi32, #tpu.memory_space<vmem>>)
      tpu.yield
    }) : () -> ()
    %add3A_7 = arith.constant 0 : i32
    %add3A_8 = arith.addi %mul3A_4, %add3A_7 : i32
    "tpu.region"() ({
      %run_scoped3A = tpu.sem_alloc : memref<!tpu.dma_semaphore, #tpu.memory_space<semaphore_mem>>
      %dma_start3A_30 = tpu.memref_slice %arg4[%add3A_8] : memref<321024xi32, #tpu.memory_space<hbm>> -> memref<88xi32, #tpu.memory_space<hbm>>
      %dma_start3A_31 = tpu.memref_slice %arg4[%add3A_8] : memref<321024xi32, #tpu.memory_space<hbm>> -> memref<88xi32, #tpu.memory_space<hbm>>
      tpu.enqueue_dma source(%dma_start3A_31 : memref<88xi32, #tpu.memory_space<hbm>>) target(%arg10 : memref<88xi32, #tpu.memory_space<vmem>>) target_semaphore(%run_scoped3A : memref<!tpu.dma_semaphore, #tpu.memory_space<semaphore_mem>>)
      %dma_wait3A = tpu.memref_slice %arg4[%add3A_8] : memref<321024xi32, #tpu.memory_space<hbm>> -> memref<88xi32, #tpu.memory_space<hbm>>
      %dma_wait3A_32 = tpu.memref_slice %arg4[%add3A_8] : memref<321024xi32, #tpu.memory_space<hbm>> -> memref<88xi32, #tpu.memory_space<hbm>>
      tpu.wait_dma2 semaphore(%run_scoped3A : memref<!tpu.dma_semaphore, #tpu.memory_space<semaphore_mem>>) src(%dma_wait3A_32 : memref<88xi32, #tpu.memory_space<hbm>>) dst(%arg10 : memref<88xi32, #tpu.memory_space<vmem>>)
      tpu.yield
    }) : () -> ()
    %dma_start3A = arith.constant 0 : i32
    %dma_start3A_9 = arith.constant 0 : i32
    %dma_start3A_10 = tpu.memref_slice %arg2[%dma_start3A, %dma_start3A_9] : memref<10000x128xf32, #tpu.memory_space<hbm>> -> memref<10000x128xf32, #tpu.memory_space<hbm>>
    tpu.enqueue_indirect_dma source(%dma_start3A_10 : memref<10000x128xf32, #tpu.memory_space<hbm>>) target(%arg13 : memref<88x128xf32, #tpu.memory_space<vmem>>) offsets(%arg7 : memref<88xi32, #tpu.memory_space<vmem>>) semaphore(%arg17 : memref<!tpu.dma_semaphore, #tpu.memory_space<semaphore_mem>>)
    %add3A_11 = arith.constant 88 : i32
    %add3A_12 = arith.addi %mul3A_4, %add3A_11 : i32
    "tpu.region"() ({
      %run_scoped3A = tpu.sem_alloc : memref<!tpu.dma_semaphore, #tpu.memory_space<semaphore_mem>>
      %dma_start3A_30 = tpu.memref_slice %arg3[%add3A_12] : memref<321024xi32, #tpu.memory_space<hbm>> -> memref<88xi32, #tpu.memory_space<hbm>>
      %dma_start3A_31 = tpu.memref_slice %arg3[%add3A_12] : memref<321024xi32, #tpu.memory_space<hbm>> -> memref<88xi32, #tpu.memory_space<hbm>>
      tpu.enqueue_dma source(%dma_start3A_31 : memref<88xi32, #tpu.memory_space<hbm>>) target(%arg8 : memref<88xi32, #tpu.memory_space<vmem>>) target_semaphore(%run_scoped3A : memref<!tpu.dma_semaphore, #tpu.memory_space<semaphore_mem>>)
      %dma_wait3A = tpu.memref_slice %arg3[%add3A_12] : memref<321024xi32, #tpu.memory_space<hbm>> -> memref<88xi32, #tpu.memory_space<hbm>>
      %dma_wait3A_32 = tpu.memref_slice %arg3[%add3A_12] : memref<321024xi32, #tpu.memory_space<hbm>> -> memref<88xi32, #tpu.memory_space<hbm>>
      tpu.wait_dma2 semaphore(%run_scoped3A : memref<!tpu.dma_semaphore, #tpu.memory_space<semaphore_mem>>) src(%dma_wait3A_32 : memref<88xi32, #tpu.memory_space<hbm>>) dst(%arg8 : memref<88xi32, #tpu.memory_space<vmem>>)
      tpu.yield
    }) : () -> ()
    %add3A_13 = arith.constant 88 : i32
    %add3A_14 = arith.addi %mul3A_4, %add3A_13 : i32
    "tpu.region"() ({
      %run_scoped3A = tpu.sem_alloc : memref<!tpu.dma_semaphore, #tpu.memory_space<semaphore_mem>>
      %dma_start3A_30 = tpu.memref_slice %arg4[%add3A_14] : memref<321024xi32, #tpu.memory_space<hbm>> -> memref<88xi32, #tpu.memory_space<hbm>>
      %dma_start3A_31 = tpu.memref_slice %arg4[%add3A_14] : memref<321024xi32, #tpu.memory_space<hbm>> -> memref<88xi32, #tpu.memory_space<hbm>>
      tpu.enqueue_dma source(%dma_start3A_31 : memref<88xi32, #tpu.memory_space<hbm>>) target(%arg11 : memref<88xi32, #tpu.memory_space<vmem>>) target_semaphore(%run_scoped3A : memref<!tpu.dma_semaphore, #tpu.memory_space<semaphore_mem>>)
      %dma_wait3A = tpu.memref_slice %arg4[%add3A_14] : memref<321024xi32, #tpu.memory_space<hbm>> -> memref<88xi32, #tpu.memory_space<hbm>>
      %dma_wait3A_32 = tpu.memref_slice %arg4[%add3A_14] : memref<321024xi32, #tpu.memory_space<hbm>> -> memref<88xi32, #tpu.memory_space<hbm>>
      tpu.wait_dma2 semaphore(%run_scoped3A : memref<!tpu.dma_semaphore, #tpu.memory_space<semaphore_mem>>) src(%dma_wait3A_32 : memref<88xi32, #tpu.memory_space<hbm>>) dst(%arg11 : memref<88xi32, #tpu.memory_space<vmem>>)
      tpu.yield
    }) : () -> ()
    %dma_start3A_15 = arith.constant 0 : i32
    %dma_start3A_16 = arith.constant 0 : i32
    %dma_start3A_17 = tpu.memref_slice %arg2[%dma_start3A_15, %dma_start3A_16] : memref<10000x128xf32, #tpu.memory_space<hbm>> -> memref<10000x128xf32, #tpu.memory_space<hbm>>
    tpu.enqueue_indirect_dma source(%dma_start3A_17 : memref<10000x128xf32, #tpu.memory_space<hbm>>) target(%arg14 : memref<88x128xf32, #tpu.memory_space<vmem>>) offsets(%arg8 : memref<88xi32, #tpu.memory_space<vmem>>) semaphore(%arg18 : memref<!tpu.dma_semaphore, #tpu.memory_space<semaphore_mem>>)
    %add3A_18 = arith.constant 176 : i32
    %add3A_19 = arith.addi %mul3A_4, %add3A_18 : i32
    "tpu.region"() ({
      %run_scoped3A = tpu.sem_alloc : memref<!tpu.dma_semaphore, #tpu.memory_space<semaphore_mem>>
      %dma_start3A_30 = tpu.memref_slice %arg3[%add3A_19] : memref<321024xi32, #tpu.memory_space<hbm>> -> memref<88xi32, #tpu.memory_space<hbm>>
      %dma_start3A_31 = tpu.memref_slice %arg3[%add3A_19] : memref<321024xi32, #tpu.memory_space<hbm>> -> memref<88xi32, #tpu.memory_space<hbm>>
      tpu.enqueue_dma source(%dma_start3A_31 : memref<88xi32, #tpu.memory_space<hbm>>) target(%arg9 : memref<88xi32, #tpu.memory_space<vmem>>) target_semaphore(%run_scoped3A : memref<!tpu.dma_semaphore, #tpu.memory_space<semaphore_mem>>)
      %dma_wait3A = tpu.memref_slice %arg3[%add3A_19] : memref<321024xi32, #tpu.memory_space<hbm>> -> memref<88xi32, #tpu.memory_space<hbm>>
      %dma_wait3A_32 = tpu.memref_slice %arg3[%add3A_19] : memref<321024xi32, #tpu.memory_space<hbm>> -> memref<88xi32, #tpu.memory_space<hbm>>
      tpu.wait_dma2 semaphore(%run_scoped3A : memref<!tpu.dma_semaphore, #tpu.memory_space<semaphore_mem>>) src(%dma_wait3A_32 : memref<88xi32, #tpu.memory_space<hbm>>) dst(%arg9 : memref<88xi32, #tpu.memory_space<vmem>>)
      tpu.yield
    }) : () -> ()
    %add3A_20 = arith.constant 176 : i32
    %add3A_21 = arith.addi %mul3A_4, %add3A_20 : i32
    "tpu.region"() ({
      %run_scoped3A = tpu.sem_alloc : memref<!tpu.dma_semaphore, #tpu.memory_space<semaphore_mem>>
      %dma_start3A_30 = tpu.memref_slice %arg4[%add3A_21] : memref<321024xi32, #tpu.memory_space<hbm>> -> memref<88xi32, #tpu.memory_space<hbm>>
      %dma_start3A_31 = tpu.memref_slice %arg4[%add3A_21] : memref<321024xi32, #tpu.memory_space<hbm>> -> memref<88xi32, #tpu.memory_space<hbm>>
      tpu.enqueue_dma source(%dma_start3A_31 : memref<88xi32, #tpu.memory_space<hbm>>) target(%arg12 : memref<88xi32, #tpu.memory_space<vmem>>) target_semaphore(%run_scoped3A : memref<!tpu.dma_semaphore, #tpu.memory_space<semaphore_mem>>)
      %dma_wait3A = tpu.memref_slice %arg4[%add3A_21] : memref<321024xi32, #tpu.memory_space<hbm>> -> memref<88xi32, #tpu.memory_space<hbm>>
      %dma_wait3A_32 = tpu.memref_slice %arg4[%add3A_21] : memref<321024xi32, #tpu.memory_space<hbm>> -> memref<88xi32, #tpu.memory_space<hbm>>
      tpu.wait_dma2 semaphore(%run_scoped3A : memref<!tpu.dma_semaphore, #tpu.memory_space<semaphore_mem>>) src(%dma_wait3A_32 : memref<88xi32, #tpu.memory_space<hbm>>) dst(%arg12 : memref<88xi32, #tpu.memory_space<vmem>>)
      tpu.yield
    }) : () -> ()
    %dma_start3A_22 = arith.constant 0 : i32
    %dma_start3A_23 = arith.constant 0 : i32
    %dma_start3A_24 = tpu.memref_slice %arg2[%dma_start3A_22, %dma_start3A_23] : memref<10000x128xf32, #tpu.memory_space<hbm>> -> memref<10000x128xf32, #tpu.memory_space<hbm>>
    tpu.enqueue_indirect_dma source(%dma_start3A_24 : memref<10000x128xf32, #tpu.memory_space<hbm>>) target(%arg15 : memref<88x128xf32, #tpu.memory_space<vmem>>) offsets(%arg9 : memref<88xi32, #tpu.memory_space<vmem>>) semaphore(%arg19 : memref<!tpu.dma_semaphore, #tpu.memory_space<semaphore_mem>>)
    %scan3A = arith.constant 0 : i32
    %scan3A_25 = arith.constant 38 : i32
    %scan3A_26 = arith.addi %scan3A, %scan3A_25 : i32
    %scan3A_27 = arith.constant 1 : i32
    scf.for %scan3A_30 = %scan3A to %scan3A_26 step %scan3A_27  : i32 {
      %mul3A_31 = arith.constant 3 : i32
      %mul3A_32 = arith.muli %scan3A_30, %mul3A_31 : i32
      %add3A_33 = arith.constant 0 : i32
      %add3A_34 = arith.addi %add3A_33, %mul3A_32 : i32
      %dma_wait3A = arith.constant 0 : i32
      %dma_wait3A_35 = arith.constant 0 : i32
      %dma_wait3A_36 = tpu.memref_slice %arg2[%dma_wait3A, %dma_wait3A_35] : memref<10000x128xf32, #tpu.memory_space<hbm>> -> memref<10000x128xf32, #tpu.memory_space<hbm>>
      tpu.wait_indirect_dma semaphore(%arg17 : memref<!tpu.dma_semaphore, #tpu.memory_space<semaphore_mem>>) src(%dma_wait3A_36 : memref<10000x128xf32, #tpu.memory_space<hbm>>) dst(%arg13 : memref<88x128xf32, #tpu.memory_space<vmem>>)
      "tpu.region"() ({
        %run_scoped3A = tpu.sem_alloc : memref<!tpu.dma_semaphore, #tpu.memory_space<semaphore_mem>>
        %dma_start3A_67 = arith.constant 0 : i32
        %dma_start3A_68 = arith.constant 0 : i32
        %dma_start3A_69 = tpu.memref_slice %arg16[%dma_start3A_67, %dma_start3A_68] : memref<10240x128xf32, #tpu.memory_space<vmem_shared>> -> memref<10240x128xf32, #tpu.memory_space<vmem_shared>>
        tpu.enqueue_indirect_dma source(%arg13 : memref<88x128xf32, #tpu.memory_space<vmem>>) target(%dma_start3A_69 : memref<10240x128xf32, #tpu.memory_space<vmem_shared>>) offsets(%arg10 : memref<88xi32, #tpu.memory_space<vmem>>) semaphore(%run_scoped3A : memref<!tpu.dma_semaphore, #tpu.memory_space<semaphore_mem>>) {add = true}
        %dma_wait3A_70 = arith.constant 0 : i32
        %dma_wait3A_71 = arith.constant 0 : i32
        %dma_wait3A_72 = tpu.memref_slice %arg16[%dma_wait3A_70, %dma_wait3A_71] : memref<10240x128xf32, #tpu.memory_space<vmem_shared>> -> memref<10240x128xf32, #tpu.memory_space<vmem_shared>>
        tpu.wait_indirect_dma semaphore(%run_scoped3A : memref<!tpu.dma_semaphore, #tpu.memory_space<semaphore_mem>>) src(%arg13 : memref<88x128xf32, #tpu.memory_space<vmem>>) dst(%dma_wait3A_72 : memref<10240x128xf32, #tpu.memory_space<vmem_shared>>)
        tpu.yield
      }) : () -> ()
      %add3A_37 = arith.constant 0 : i32
      %add3A_38 = arith.addi %add3A_34, %add3A_37 : i32
      %add3A_39 = arith.constant 3 : i32
      %add3A_40 = arith.addi %add3A_38, %add3A_39 : i32
      %lt3A = arith.constant 114 : i32
      %lt3A_41 = arith.cmpi slt, %add3A_40, %lt3A : i32
      %convert_element_type3A = arith.extui %lt3A_41 : i1 to i32
      %cond3A = arith.constant 0 : i32
      %cond3A_42 = arith.cmpi ne, %convert_element_type3A, %cond3A : i32
      scf.if %cond3A_42 {
        %mul3A_67 = arith.constant 88 : i32
        %mul3A_68 = arith.muli %add3A_40, %mul3A_67 : i32
        %add3A_69 = arith.addi %mul3A_4, %mul3A_68 : i32
        "tpu.region"() ({
          %run_scoped3A = tpu.sem_alloc : memref<!tpu.dma_semaphore, #tpu.memory_space<semaphore_mem>>
          %dma_start3A_73 = tpu.memref_slice %arg3[%add3A_69] : memref<321024xi32, #tpu.memory_space<hbm>> -> memref<88xi32, #tpu.memory_space<hbm>>
          %dma_start3A_74 = tpu.memref_slice %arg3[%add3A_69] : memref<321024xi32, #tpu.memory_space<hbm>> -> memref<88xi32, #tpu.memory_space<hbm>>
          tpu.enqueue_dma source(%dma_start3A_74 : memref<88xi32, #tpu.memory_space<hbm>>) target(%arg7 : memref<88xi32, #tpu.memory_space<vmem>>) target_semaphore(%run_scoped3A : memref<!tpu.dma_semaphore, #tpu.memory_space<semaphore_mem>>)
          %dma_wait3A_75 = tpu.memref_slice %arg3[%add3A_69] : memref<321024xi32, #tpu.memory_space<hbm>> -> memref<88xi32, #tpu.memory_space<hbm>>
          %dma_wait3A_76 = tpu.memref_slice %arg3[%add3A_69] : memref<321024xi32, #tpu.memory_space<hbm>> -> memref<88xi32, #tpu.memory_space<hbm>>
          tpu.wait_dma2 semaphore(%run_scoped3A : memref<!tpu.dma_semaphore, #tpu.memory_space<semaphore_mem>>) src(%dma_wait3A_76 : memref<88xi32, #tpu.memory_space<hbm>>) dst(%arg7 : memref<88xi32, #tpu.memory_space<vmem>>)
          tpu.yield
        }) : () -> ()
        "tpu.region"() ({
          %run_scoped3A = tpu.sem_alloc : memref<!tpu.dma_semaphore, #tpu.memory_space<semaphore_mem>>
          %dma_start3A_73 = tpu.memref_slice %arg4[%add3A_69] : memref<321024xi32, #tpu.memory_space<hbm>> -> memref<88xi32, #tpu.memory_space<hbm>>
          %dma_start3A_74 = tpu.memref_slice %arg4[%add3A_69] : memref<321024xi32, #tpu.memory_space<hbm>> -> memref<88xi32, #tpu.memory_space<hbm>>
          tpu.enqueue_dma source(%dma_start3A_74 : memref<88xi32, #tpu.memory_space<hbm>>) target(%arg10 : memref<88xi32, #tpu.memory_space<vmem>>) target_semaphore(%run_scoped3A : memref<!tpu.dma_semaphore, #tpu.memory_space<semaphore_mem>>)
          %dma_wait3A_75 = tpu.memref_slice %arg4[%add3A_69] : memref<321024xi32, #tpu.memory_space<hbm>> -> memref<88xi32, #tpu.memory_space<hbm>>
          %dma_wait3A_76 = tpu.memref_slice %arg4[%add3A_69] : memref<321024xi32, #tpu.memory_space<hbm>> -> memref<88xi32, #tpu.memory_space<hbm>>
          tpu.wait_dma2 semaphore(%run_scoped3A : memref<!tpu.dma_semaphore, #tpu.memory_space<semaphore_mem>>) src(%dma_wait3A_76 : memref<88xi32, #tpu.memory_space<hbm>>) dst(%arg10 : memref<88xi32, #tpu.memory_space<vmem>>)
          tpu.yield
        }) : () -> ()
        %dma_start3A_70 = arith.constant 0 : i32
        %dma_start3A_71 = arith.constant 0 : i32
        %dma_start3A_72 = tpu.memref_slice %arg2[%dma_start3A_70, %dma_start3A_71] : memref<10000x128xf32, #tpu.memory_space<hbm>> -> memref<10000x128xf32, #tpu.memory_space<hbm>>
        tpu.enqueue_indirect_dma source(%dma_start3A_72 : memref<10000x128xf32, #tpu.memory_space<hbm>>) target(%arg13 : memref<88x128xf32, #tpu.memory_space<vmem>>) offsets(%arg7 : memref<88xi32, #tpu.memory_space<vmem>>) semaphore(%arg17 : memref<!tpu.dma_semaphore, #tpu.memory_space<semaphore_mem>>)
      } else {
      }
      %dma_wait3A_43 = arith.constant 0 : i32
      %dma_wait3A_44 = arith.constant 0 : i32
      %dma_wait3A_45 = tpu.memref_slice %arg2[%dma_wait3A_43, %dma_wait3A_44] : memref<10000x128xf32, #tpu.memory_space<hbm>> -> memref<10000x128xf32, #tpu.memory_space<hbm>>
      tpu.wait_indirect_dma semaphore(%arg18 : memref<!tpu.dma_semaphore, #tpu.memory_space<semaphore_mem>>) src(%dma_wait3A_45 : memref<10000x128xf32, #tpu.memory_space<hbm>>) dst(%arg14 : memref<88x128xf32, #tpu.memory_space<vmem>>)
      "tpu.region"() ({
        %run_scoped3A = tpu.sem_alloc : memref<!tpu.dma_semaphore, #tpu.memory_space<semaphore_mem>>
        %dma_start3A_67 = arith.constant 0 : i32
        %dma_start3A_68 = arith.constant 0 : i32
        %dma_start3A_69 = tpu.memref_slice %arg16[%dma_start3A_67, %dma_start3A_68] : memref<10240x128xf32, #tpu.memory_space<vmem_shared>> -> memref<10240x128xf32, #tpu.memory_space<vmem_shared>>
        tpu.enqueue_indirect_dma source(%arg14 : memref<88x128xf32, #tpu.memory_space<vmem>>) target(%dma_start3A_69 : memref<10240x128xf32, #tpu.memory_space<vmem_shared>>) offsets(%arg11 : memref<88xi32, #tpu.memory_space<vmem>>) semaphore(%run_scoped3A : memref<!tpu.dma_semaphore, #tpu.memory_space<semaphore_mem>>) {add = true}
        %dma_wait3A_70 = arith.constant 0 : i32
        %dma_wait3A_71 = arith.constant 0 : i32
        %dma_wait3A_72 = tpu.memref_slice %arg16[%dma_wait3A_70, %dma_wait3A_71] : memref<10240x128xf32, #tpu.memory_space<vmem_shared>> -> memref<10240x128xf32, #tpu.memory_space<vmem_shared>>
        tpu.wait_indirect_dma semaphore(%run_scoped3A : memref<!tpu.dma_semaphore, #tpu.memory_space<semaphore_mem>>) src(%arg14 : memref<88x128xf32, #tpu.memory_space<vmem>>) dst(%dma_wait3A_72 : memref<10240x128xf32, #tpu.memory_space<vmem_shared>>)
        tpu.yield
      }) : () -> ()
      %add3A_46 = arith.constant 1 : i32
      %add3A_47 = arith.addi %add3A_34, %add3A_46 : i32
      %add3A_48 = arith.constant 3 : i32
      %add3A_49 = arith.addi %add3A_47, %add3A_48 : i32
      %lt3A_50 = arith.constant 114 : i32
      %lt3A_51 = arith.cmpi slt, %add3A_49, %lt3A_50 : i32
      %convert_element_type3A_52 = arith.extui %lt3A_51 : i1 to i32
      %cond3A_53 = arith.constant 0 : i32
      %cond3A_54 = arith.cmpi ne, %convert_element_type3A_52, %cond3A_53 : i32
      scf.if %cond3A_54 {
        %mul3A_67 = arith.constant 88 : i32
        %mul3A_68 = arith.muli %add3A_49, %mul3A_67 : i32
        %add3A_69 = arith.addi %mul3A_4, %mul3A_68 : i32
        "tpu.region"() ({
          %run_scoped3A = tpu.sem_alloc : memref<!tpu.dma_semaphore, #tpu.memory_space<semaphore_mem>>
          %dma_start3A_73 = tpu.memref_slice %arg3[%add3A_69] : memref<321024xi32, #tpu.memory_space<hbm>> -> memref<88xi32, #tpu.memory_space<hbm>>
          %dma_start3A_74 = tpu.memref_slice %arg3[%add3A_69] : memref<321024xi32, #tpu.memory_space<hbm>> -> memref<88xi32, #tpu.memory_space<hbm>>
          tpu.enqueue_dma source(%dma_start3A_74 : memref<88xi32, #tpu.memory_space<hbm>>) target(%arg8 : memref<88xi32, #tpu.memory_space<vmem>>) target_semaphore(%run_scoped3A : memref<!tpu.dma_semaphore, #tpu.memory_space<semaphore_mem>>)
          %dma_wait3A_75 = tpu.memref_slice %arg3[%add3A_69] : memref<321024xi32, #tpu.memory_space<hbm>> -> memref<88xi32, #tpu.memory_space<hbm>>
          %dma_wait3A_76 = tpu.memref_slice %arg3[%add3A_69] : memref<321024xi32, #tpu.memory_space<hbm>> -> memref<88xi32, #tpu.memory_space<hbm>>
          tpu.wait_dma2 semaphore(%run_scoped3A : memref<!tpu.dma_semaphore, #tpu.memory_space<semaphore_mem>>) src(%dma_wait3A_76 : memref<88xi32, #tpu.memory_space<hbm>>) dst(%arg8 : memref<88xi32, #tpu.memory_space<vmem>>)
          tpu.yield
        }) : () -> ()
        "tpu.region"() ({
          %run_scoped3A = tpu.sem_alloc : memref<!tpu.dma_semaphore, #tpu.memory_space<semaphore_mem>>
          %dma_start3A_73 = tpu.memref_slice %arg4[%add3A_69] : memref<321024xi32, #tpu.memory_space<hbm>> -> memref<88xi32, #tpu.memory_space<hbm>>
          %dma_start3A_74 = tpu.memref_slice %arg4[%add3A_69] : memref<321024xi32, #tpu.memory_space<hbm>> -> memref<88xi32, #tpu.memory_space<hbm>>
          tpu.enqueue_dma source(%dma_start3A_74 : memref<88xi32, #tpu.memory_space<hbm>>) target(%arg11 : memref<88xi32, #tpu.memory_space<vmem>>) target_semaphore(%run_scoped3A : memref<!tpu.dma_semaphore, #tpu.memory_space<semaphore_mem>>)
          %dma_wait3A_75 = tpu.memref_slice %arg4[%add3A_69] : memref<321024xi32, #tpu.memory_space<hbm>> -> memref<88xi32, #tpu.memory_space<hbm>>
          %dma_wait3A_76 = tpu.memref_slice %arg4[%add3A_69] : memref<321024xi32, #tpu.memory_space<hbm>> -> memref<88xi32, #tpu.memory_space<hbm>>
          tpu.wait_dma2 semaphore(%run_scoped3A : memref<!tpu.dma_semaphore, #tpu.memory_space<semaphore_mem>>) src(%dma_wait3A_76 : memref<88xi32, #tpu.memory_space<hbm>>) dst(%arg11 : memref<88xi32, #tpu.memory_space<vmem>>)
          tpu.yield
        }) : () -> ()
        %dma_start3A_70 = arith.constant 0 : i32
        %dma_start3A_71 = arith.constant 0 : i32
        %dma_start3A_72 = tpu.memref_slice %arg2[%dma_start3A_70, %dma_start3A_71] : memref<10000x128xf32, #tpu.memory_space<hbm>> -> memref<10000x128xf32, #tpu.memory_space<hbm>>
        tpu.enqueue_indirect_dma source(%dma_start3A_72 : memref<10000x128xf32, #tpu.memory_space<hbm>>) target(%arg14 : memref<88x128xf32, #tpu.memory_space<vmem>>) offsets(%arg8 : memref<88xi32, #tpu.memory_space<vmem>>) semaphore(%arg18 : memref<!tpu.dma_semaphore, #tpu.memory_space<semaphore_mem>>)
      } else {
      }
      %dma_wait3A_55 = arith.constant 0 : i32
      %dma_wait3A_56 = arith.constant 0 : i32
      %dma_wait3A_57 = tpu.memref_slice %arg2[%dma_wait3A_55, %dma_wait3A_56] : memref<10000x128xf32, #tpu.memory_space<hbm>> -> memref<10000x128xf32, #tpu.memory_space<hbm>>
      tpu.wait_indirect_dma semaphore(%arg19 : memref<!tpu.dma_semaphore, #tpu.memory_space<semaphore_mem>>) src(%dma_wait3A_57 : memref<10000x128xf32, #tpu.memory_space<hbm>>) dst(%arg15 : memref<88x128xf32, #tpu.memory_space<vmem>>)
      "tpu.region"() ({
        %run_scoped3A = tpu.sem_alloc : memref<!tpu.dma_semaphore, #tpu.memory_space<semaphore_mem>>
        %dma_start3A_67 = arith.constant 0 : i32
        %dma_start3A_68 = arith.constant 0 : i32
        %dma_start3A_69 = tpu.memref_slice %arg16[%dma_start3A_67, %dma_start3A_68] : memref<10240x128xf32, #tpu.memory_space<vmem_shared>> -> memref<10240x128xf32, #tpu.memory_space<vmem_shared>>
        tpu.enqueue_indirect_dma source(%arg15 : memref<88x128xf32, #tpu.memory_space<vmem>>) target(%dma_start3A_69 : memref<10240x128xf32, #tpu.memory_space<vmem_shared>>) offsets(%arg12 : memref<88xi32, #tpu.memory_space<vmem>>) semaphore(%run_scoped3A : memref<!tpu.dma_semaphore, #tpu.memory_space<semaphore_mem>>) {add = true}
        %dma_wait3A_70 = arith.constant 0 : i32
        %dma_wait3A_71 = arith.constant 0 : i32
        %dma_wait3A_72 = tpu.memref_slice %arg16[%dma_wait3A_70, %dma_wait3A_71] : memref<10240x128xf32, #tpu.memory_space<vmem_shared>> -> memref<10240x128xf32, #tpu.memory_space<vmem_shared>>
        tpu.wait_indirect_dma semaphore(%run_scoped3A : memref<!tpu.dma_semaphore, #tpu.memory_space<semaphore_mem>>) src(%arg15 : memref<88x128xf32, #tpu.memory_space<vmem>>) dst(%dma_wait3A_72 : memref<10240x128xf32, #tpu.memory_space<vmem_shared>>)
        tpu.yield
      }) : () -> ()
      %add3A_58 = arith.constant 2 : i32
      %add3A_59 = arith.addi %add3A_34, %add3A_58 : i32
      %add3A_60 = arith.constant 3 : i32
      %add3A_61 = arith.addi %add3A_59, %add3A_60 : i32
      %lt3A_62 = arith.constant 114 : i32
      %lt3A_63 = arith.cmpi slt, %add3A_61, %lt3A_62 : i32
      %convert_element_type3A_64 = arith.extui %lt3A_63 : i1 to i32
      %cond3A_65 = arith.constant 0 : i32
      %cond3A_66 = arith.cmpi ne, %convert_element_type3A_64, %cond3A_65 : i32
      scf.if %cond3A_66 {
        %mul3A_67 = arith.constant 88 : i32
        %mul3A_68 = arith.muli %add3A_61, %mul3A_67 : i32
        %add3A_69 = arith.addi %mul3A_4, %mul3A_68 : i32
        "tpu.region"() ({
          %run_scoped3A = tpu.sem_alloc : memref<!tpu.dma_semaphore, #tpu.memory_space<semaphore_mem>>
          %dma_start3A_73 = tpu.memref_slice %arg3[%add3A_69] : memref<321024xi32, #tpu.memory_space<hbm>> -> memref<88xi32, #tpu.memory_space<hbm>>
          %dma_start3A_74 = tpu.memref_slice %arg3[%add3A_69] : memref<321024xi32, #tpu.memory_space<hbm>> -> memref<88xi32, #tpu.memory_space<hbm>>
          tpu.enqueue_dma source(%dma_start3A_74 : memref<88xi32, #tpu.memory_space<hbm>>) target(%arg9 : memref<88xi32, #tpu.memory_space<vmem>>) target_semaphore(%run_scoped3A : memref<!tpu.dma_semaphore, #tpu.memory_space<semaphore_mem>>)
          %dma_wait3A_75 = tpu.memref_slice %arg3[%add3A_69] : memref<321024xi32, #tpu.memory_space<hbm>> -> memref<88xi32, #tpu.memory_space<hbm>>
          %dma_wait3A_76 = tpu.memref_slice %arg3[%add3A_69] : memref<321024xi32, #tpu.memory_space<hbm>> -> memref<88xi32, #tpu.memory_space<hbm>>
          tpu.wait_dma2 semaphore(%run_scoped3A : memref<!tpu.dma_semaphore, #tpu.memory_space<semaphore_mem>>) src(%dma_wait3A_76 : memref<88xi32, #tpu.memory_space<hbm>>) dst(%arg9 : memref<88xi32, #tpu.memory_space<vmem>>)
          tpu.yield
        }) : () -> ()
        "tpu.region"() ({
          %run_scoped3A = tpu.sem_alloc : memref<!tpu.dma_semaphore, #tpu.memory_space<semaphore_mem>>
          %dma_start3A_73 = tpu.memref_slice %arg4[%add3A_69] : memref<321024xi32, #tpu.memory_space<hbm>> -> memref<88xi32, #tpu.memory_space<hbm>>
          %dma_start3A_74 = tpu.memref_slice %arg4[%add3A_69] : memref<321024xi32, #tpu.memory_space<hbm>> -> memref<88xi32, #tpu.memory_space<hbm>>
          tpu.enqueue_dma source(%dma_start3A_74 : memref<88xi32, #tpu.memory_space<hbm>>) target(%arg12 : memref<88xi32, #tpu.memory_space<vmem>>) target_semaphore(%run_scoped3A : memref<!tpu.dma_semaphore, #tpu.memory_space<semaphore_mem>>)
          %dma_wait3A_75 = tpu.memref_slice %arg4[%add3A_69] : memref<321024xi32, #tpu.memory_space<hbm>> -> memref<88xi32, #tpu.memory_space<hbm>>
          %dma_wait3A_76 = tpu.memref_slice %arg4[%add3A_69] : memref<321024xi32, #tpu.memory_space<hbm>> -> memref<88xi32, #tpu.memory_space<hbm>>
          tpu.wait_dma2 semaphore(%run_scoped3A : memref<!tpu.dma_semaphore, #tpu.memory_space<semaphore_mem>>) src(%dma_wait3A_76 : memref<88xi32, #tpu.memory_space<hbm>>) dst(%arg12 : memref<88xi32, #tpu.memory_space<vmem>>)
          tpu.yield
        }) : () -> ()
        %dma_start3A_70 = arith.constant 0 : i32
        %dma_start3A_71 = arith.constant 0 : i32
        %dma_start3A_72 = tpu.memref_slice %arg2[%dma_start3A_70, %dma_start3A_71] : memref<10000x128xf32, #tpu.memory_space<hbm>> -> memref<10000x128xf32, #tpu.memory_space<hbm>>
        tpu.enqueue_indirect_dma source(%dma_start3A_72 : memref<10000x128xf32, #tpu.memory_space<hbm>>) target(%arg15 : memref<88x128xf32, #tpu.memory_space<vmem>>) offsets(%arg9 : memref<88xi32, #tpu.memory_space<vmem>>) semaphore(%arg19 : memref<!tpu.dma_semaphore, #tpu.memory_space<semaphore_mem>>)
      } else {
      }
    }
    %scan3A_28 = arith.constant 38 : i32
    %barrier3A_29 = arith.constant 0 : index
    tpu.barrier barrier_id(%barrier3A_29)
    "tpu.region"() ({
      %run_scoped3A = tpu.sem_alloc : memref<!tpu.dma_semaphore, #tpu.memory_space<semaphore_mem>>
      %dma_start3A_30 = arith.constant 0 : i32
      %dma_start3A_31 = tpu.memref_slice %arg6[%arg0, %mul3A_2, %dma_start3A_30] : memref<2x10240x128xf32, #tpu.memory_space<hbm>> -> memref<1x640x128xf32, #tpu.memory_space<hbm>>
      %dma_start3A_32 = tpu.memref_squeeze %dma_start3A_31 : memref<1x640x128xf32, #tpu.memory_space<hbm>> -> memref<640x128xf32, #tpu.memory_space<hbm>>
      %dma_start3A_33 = arith.constant 0 : i32
      %dma_start3A_34 = tpu.memref_slice %arg16[%mul3A_2, %dma_start3A_33] : memref<10240x128xf32, #tpu.memory_space<vmem_shared>> -> memref<640x128xf32, #tpu.memory_space<vmem_shared>>
      tpu.enqueue_dma source(%dma_start3A_34 : memref<640x128xf32, #tpu.memory_space<vmem_shared>>) target(%dma_start3A_32 : memref<640x128xf32, #tpu.memory_space<hbm>>) target_semaphore(%run_scoped3A : memref<!tpu.dma_semaphore, #tpu.memory_space<semaphore_mem>>)
      %dma_wait3A = arith.constant 0 : i32
      %dma_wait3A_35 = tpu.memref_slice %arg6[%arg0, %mul3A_2, %dma_wait3A] : memref<2x10240x128xf32, #tpu.memory_space<hbm>> -> memref<1x640x128xf32, #tpu.memory_space<hbm>>
      %dma_wait3A_36 = tpu.memref_squeeze %dma_wait3A_35 : memref<1x640x128xf32, #tpu.memory_space<hbm>> -> memref<640x128xf32, #tpu.memory_space<hbm>>
      %dma_wait3A_37 = arith.constant 0 : i32
      %dma_wait3A_38 = tpu.memref_slice %arg16[%mul3A_2, %dma_wait3A_37] : memref<10240x128xf32, #tpu.memory_space<vmem_shared>> -> memref<640x128xf32, #tpu.memory_space<vmem_shared>>
      tpu.wait_dma2 semaphore(%run_scoped3A : memref<!tpu.dma_semaphore, #tpu.memory_space<semaphore_mem>>) src(%dma_wait3A_38 : memref<640x128xf32, #tpu.memory_space<vmem_shared>>) dst(%dma_wait3A_36 : memref<640x128xf32, #tpu.memory_space<hbm>>)
      tpu.yield
    }) : () -> ()
    return
  }
}

#map = affine_map<(d0, d1) -> (0, 0)>
#map1 = affine_map<(d0, d1) -> (0)>
#map2 = affine_map<(d0, d1) -> (0, 0, 0)>
module attributes {stable_mosaic.version = 14 : i64} {
  func.func @agg(%arg0: i32, %arg1: i32, %arg2: memref<10000x128xf32, #tpu.memory_space<hbm>>, %arg3: memref<321024xi32, #tpu.memory_space<hbm>>, %arg4: memref<321024xi32, #tpu.memory_space<hbm>>, %arg5: memref<10240x128xf32, #tpu.memory_space<hbm>>, %arg6: memref<2x10240x128xf32, #tpu.memory_space<hbm>>, %arg7: memref<88xi32, #tpu.memory_space<vmem>>, %arg8: memref<88xi32, #tpu.memory_space<vmem>>, %arg9: memref<88xi32, #tpu.memory_space<vmem>>, %arg10: memref<88xi32, #tpu.memory_space<vmem>>, %arg11: memref<88xi32, #tpu.memory_space<vmem>>, %arg12: memref<88xi32, #tpu.memory_space<vmem>>, %arg13: memref<88x128xf32, #tpu.memory_space<vmem>>, %arg14: memref<88x128xf32, #tpu.memory_space<vmem>>, %arg15: memref<88x128xf32, #tpu.memory_space<vmem>>, %arg16: memref<10240x128xf32, #tpu.memory_space<vmem_shared>>, %arg17: memref<!tpu.dma_semaphore, #tpu.memory_space<semaphore_mem>>, %arg18: memref<!tpu.dma_semaphore, #tpu.memory_space<semaphore_mem>>, %arg19: memref<!tpu.dma_semaphore, #tpu.memory_space<semaphore_mem>>) attributes {dimension_semantics = [#tpu.dimension_semantics<core_parallel>, #tpu.dimension_semantics<subcore_parallel>], iteration_bounds = array<i64: 2, 16>, scalar_prefetch = 0 : i64, scratch_operands = 13 : i64, tpu.core_type = #tpu.core_type<sc_vector_subcore>, window_params = [{transform_indices = #map}, {transform_indices = #map1}, {transform_indices = #map1}, {transform_indices = #map}, {transform_indices = #map2}]} {
    %mul3A = arith.constant 2 : i32
    %mul3A_0 = arith.muli %arg1, %mul3A : i32
    %add3A = arith.addi %mul3A_0, %arg0 : i32
    %mul3A_1 = arith.constant 640 : i32
    %mul3A_2 = arith.muli %arg1, %mul3A_1 : i32
    "tpu.region"() ({
      %run_scoped3A = tpu.sem_alloc : memref<!tpu.dma_semaphore, #tpu.memory_space<semaphore_mem>>
      %dma_start3A_30 = arith.constant 0 : i32
      %dma_start3A_31 = tpu.memref_slice %arg16[%mul3A_2, %dma_start3A_30] : memref<10240x128xf32, #tpu.memory_space<vmem_shared>> -> memref<640x128xf32, #tpu.memory_space<vmem_shared>>
      %dma_start3A_32 = arith.constant 0 : i32
      %dma_start3A_33 = tpu.memref_slice %arg5[%mul3A_2, %dma_start3A_32] : memref<10240x128xf32, #tpu.memory_space<hbm>> -> memref<640x128xf32, #tpu.memory_space<hbm>>
      tpu.enqueue_dma source(%dma_start3A_33 : memref<640x128xf32, #tpu.memory_space<hbm>>) target(%dma_start3A_31 : memref<640x128xf32, #tpu.memory_space<vmem_shared>>) target_semaphore(%run_scoped3A : memref<!tpu.dma_semaphore, #tpu.memory_space<semaphore_mem>>)
      %dma_wait3A = arith.constant 0 : i32
      %dma_wait3A_34 = tpu.memref_slice %arg16[%mul3A_2, %dma_wait3A] : memref<10240x128xf32, #tpu.memory_space<vmem_shared>> -> memref<640x128xf32, #tpu.memory_space<vmem_shared>>
      %dma_wait3A_35 = arith.constant 0 : i32
      %dma_wait3A_36 = tpu.memref_slice %arg5[%mul3A_2, %dma_wait3A_35] : memref<10240x128xf32, #tpu.memory_space<hbm>> -> memref<640x128xf32, #tpu.memory_space<hbm>>
      tpu.wait_dma2 semaphore(%run_scoped3A : memref<!tpu.dma_semaphore, #tpu.memory_space<semaphore_mem>>) src(%dma_wait3A_36 : memref<640x128xf32, #tpu.memory_space<hbm>>) dst(%dma_wait3A_34 : memref<640x128xf32, #tpu.memory_space<vmem_shared>>)
      tpu.yield
    }) : () -> ()
    %barrier3A = arith.constant 0 : index
    tpu.barrier barrier_id(%barrier3A)
    %mul3A_3 = arith.constant 10032 : i32
    %mul3A_4 = arith.muli %add3A, %mul3A_3 : i32
    %add3A_5 = arith.constant 0 : i32
    %add3A_6 = arith.addi %mul3A_4, %add3A_5 : i32
    "tpu.region"() ({
      %run_scoped3A = tpu.sem_alloc : memref<!tpu.dma_semaphore, #tpu.memory_space<semaphore_mem>>
      %dma_start3A_30 = tpu.memref_slice %arg3[%add3A_6] : memref<321024xi32, #tpu.memory_space<hbm>> -> memref<88xi32, #tpu.memory_space<hbm>>
      %dma_start3A_31 = tpu.memref_slice %arg3[%add3A_6] : memref<321024xi32, #tpu.memory_space<hbm>> -> memref<88xi32, #tpu.memory_space<hbm>>
      tpu.enqueue_dma source(%dma_start3A_31 : memref<88xi32, #tpu.memory_space<hbm>>) target(%arg7 : memref<88xi32, #tpu.memory_space<vmem>>) target_semaphore(%run_scoped3A : memref<!tpu.dma_semaphore, #tpu.memory_space<semaphore_mem>>)
      %dma_wait3A = tpu.memref_slice %arg3[%add3A_6] : memref<321024xi32, #tpu.memory_space<hbm>> -> memref<88xi32, #tpu.memory_space<hbm>>
      %dma_wait3A_32 = tpu.memref_slice %arg3[%add3A_6] : memref<321024xi32, #tpu.memory_space<hbm>> -> memref<88xi32, #tpu.memory_space<hbm>>
      tpu.wait_dma2 semaphore(%run_scoped3A : memref<!tpu.dma_semaphore, #tpu.memory_space<semaphore_mem>>) src(%dma_wait3A_32 : memref<88xi32, #tpu.memory_space<hbm>>) dst(%arg7 : memref<88xi32, #tpu.memory_space<vmem>>)
      tpu.yield
    }) : () -> ()
    %add3A_7 = arith.constant 0 : i32
    %add3A_8 = arith.addi %mul3A_4, %add3A_7 : i32
    "tpu.region"() ({
      %run_scoped3A = tpu.sem_alloc : memref<!tpu.dma_semaphore, #tpu.memory_space<semaphore_mem>>
      %dma_start3A_30 = tpu.memref_slice %arg4[%add3A_8] : memref<321024xi32, #tpu.memory_space<hbm>> -> memref<88xi32, #tpu.memory_space<hbm>>
      %dma_start3A_31 = tpu.memref_slice %arg4[%add3A_8] : memref<321024xi32, #tpu.memory_space<hbm>> -> memref<88xi32, #tpu.memory_space<hbm>>
      tpu.enqueue_dma source(%dma_start3A_31 : memref<88xi32, #tpu.memory_space<hbm>>) target(%arg10 : memref<88xi32, #tpu.memory_space<vmem>>) target_semaphore(%run_scoped3A : memref<!tpu.dma_semaphore, #tpu.memory_space<semaphore_mem>>)
      %dma_wait3A = tpu.memref_slice %arg4[%add3A_8] : memref<321024xi32, #tpu.memory_space<hbm>> -> memref<88xi32, #tpu.memory_space<hbm>>
      %dma_wait3A_32 = tpu.memref_slice %arg4[%add3A_8] : memref<321024xi32, #tpu.memory_space<hbm>> -> memref<88xi32, #tpu.memory_space<hbm>>
      tpu.wait_dma2 semaphore(%run_scoped3A : memref<!tpu.dma_semaphore, #tpu.memory_space<semaphore_mem>>) src(%dma_wait3A_32 : memref<88xi32, #tpu.memory_space<hbm>>) dst(%arg10 : memref<88xi32, #tpu.memory_space<vmem>>)
      tpu.yield
    }) : () -> ()
    %dma_start3A = arith.constant 0 : i32
    %dma_start3A_9 = arith.constant 0 : i32
    %dma_start3A_10 = tpu.memref_slice %arg2[%dma_start3A, %dma_start3A_9] : memref<10000x128xf32, #tpu.memory_space<hbm>> -> memref<10000x128xf32, #tpu.memory_space<hbm>>
    tpu.enqueue_indirect_dma source(%dma_start3A_10 : memref<10000x128xf32, #tpu.memory_space<hbm>>) target(%arg13 : memref<88x128xf32, #tpu.memory_space<vmem>>) offsets(%arg7 : memref<88xi32, #tpu.memory_space<vmem>>) semaphore(%arg17 : memref<!tpu.dma_semaphore, #tpu.memory_space<semaphore_mem>>)
    %add3A_11 = arith.constant 88 : i32
    %add3A_12 = arith.addi %mul3A_4, %add3A_11 : i32
    "tpu.region"() ({
      %run_scoped3A = tpu.sem_alloc : memref<!tpu.dma_semaphore, #tpu.memory_space<semaphore_mem>>
      %dma_start3A_30 = tpu.memref_slice %arg3[%add3A_12] : memref<321024xi32, #tpu.memory_space<hbm>> -> memref<88xi32, #tpu.memory_space<hbm>>
      %dma_start3A_31 = tpu.memref_slice %arg3[%add3A_12] : memref<321024xi32, #tpu.memory_space<hbm>> -> memref<88xi32, #tpu.memory_space<hbm>>
      tpu.enqueue_dma source(%dma_start3A_31 : memref<88xi32, #tpu.memory_space<hbm>>) target(%arg8 : memref<88xi32, #tpu.memory_space<vmem>>) target_semaphore(%run_scoped3A : memref<!tpu.dma_semaphore, #tpu.memory_space<semaphore_mem>>)
      %dma_wait3A = tpu.memref_slice %arg3[%add3A_12] : memref<321024xi32, #tpu.memory_space<hbm>> -> memref<88xi32, #tpu.memory_space<hbm>>
      %dma_wait3A_32 = tpu.memref_slice %arg3[%add3A_12] : memref<321024xi32, #tpu.memory_space<hbm>> -> memref<88xi32, #tpu.memory_space<hbm>>
      tpu.wait_dma2 semaphore(%run_scoped3A : memref<!tpu.dma_semaphore, #tpu.memory_space<semaphore_mem>>) src(%dma_wait3A_32 : memref<88xi32, #tpu.memory_space<hbm>>) dst(%arg8 : memref<88xi32, #tpu.memory_space<vmem>>)
      tpu.yield
    }) : () -> ()
    %add3A_13 = arith.constant 88 : i32
    %add3A_14 = arith.addi %mul3A_4, %add3A_13 : i32
    "tpu.region"() ({
      %run_scoped3A = tpu.sem_alloc : memref<!tpu.dma_semaphore, #tpu.memory_space<semaphore_mem>>
      %dma_start3A_30 = tpu.memref_slice %arg4[%add3A_14] : memref<321024xi32, #tpu.memory_space<hbm>> -> memref<88xi32, #tpu.memory_space<hbm>>
      %dma_start3A_31 = tpu.memref_slice %arg4[%add3A_14] : memref<321024xi32, #tpu.memory_space<hbm>> -> memref<88xi32, #tpu.memory_space<hbm>>
      tpu.enqueue_dma source(%dma_start3A_31 : memref<88xi32, #tpu.memory_space<hbm>>) target(%arg11 : memref<88xi32, #tpu.memory_space<vmem>>) target_semaphore(%run_scoped3A : memref<!tpu.dma_semaphore, #tpu.memory_space<semaphore_mem>>)
      %dma_wait3A = tpu.memref_slice %arg4[%add3A_14] : memref<321024xi32, #tpu.memory_space<hbm>> -> memref<88xi32, #tpu.memory_space<hbm>>
      %dma_wait3A_32 = tpu.memref_slice %arg4[%add3A_14] : memref<321024xi32, #tpu.memory_space<hbm>> -> memref<88xi32, #tpu.memory_space<hbm>>
      tpu.wait_dma2 semaphore(%run_scoped3A : memref<!tpu.dma_semaphore, #tpu.memory_space<semaphore_mem>>) src(%dma_wait3A_32 : memref<88xi32, #tpu.memory_space<hbm>>) dst(%arg11 : memref<88xi32, #tpu.memory_space<vmem>>)
      tpu.yield
    }) : () -> ()
    %dma_start3A_15 = arith.constant 0 : i32
    %dma_start3A_16 = arith.constant 0 : i32
    %dma_start3A_17 = tpu.memref_slice %arg2[%dma_start3A_15, %dma_start3A_16] : memref<10000x128xf32, #tpu.memory_space<hbm>> -> memref<10000x128xf32, #tpu.memory_space<hbm>>
    tpu.enqueue_indirect_dma source(%dma_start3A_17 : memref<10000x128xf32, #tpu.memory_space<hbm>>) target(%arg14 : memref<88x128xf32, #tpu.memory_space<vmem>>) offsets(%arg8 : memref<88xi32, #tpu.memory_space<vmem>>) semaphore(%arg18 : memref<!tpu.dma_semaphore, #tpu.memory_space<semaphore_mem>>)
    %add3A_18 = arith.constant 176 : i32
    %add3A_19 = arith.addi %mul3A_4, %add3A_18 : i32
    "tpu.region"() ({
      %run_scoped3A = tpu.sem_alloc : memref<!tpu.dma_semaphore, #tpu.memory_space<semaphore_mem>>
      %dma_start3A_30 = tpu.memref_slice %arg3[%add3A_19] : memref<321024xi32, #tpu.memory_space<hbm>> -> memref<88xi32, #tpu.memory_space<hbm>>
      %dma_start3A_31 = tpu.memref_slice %arg3[%add3A_19] : memref<321024xi32, #tpu.memory_space<hbm>> -> memref<88xi32, #tpu.memory_space<hbm>>
      tpu.enqueue_dma source(%dma_start3A_31 : memref<88xi32, #tpu.memory_space<hbm>>) target(%arg9 : memref<88xi32, #tpu.memory_space<vmem>>) target_semaphore(%run_scoped3A : memref<!tpu.dma_semaphore, #tpu.memory_space<semaphore_mem>>)
      %dma_wait3A = tpu.memref_slice %arg3[%add3A_19] : memref<321024xi32, #tpu.memory_space<hbm>> -> memref<88xi32, #tpu.memory_space<hbm>>
      %dma_wait3A_32 = tpu.memref_slice %arg3[%add3A_19] : memref<321024xi32, #tpu.memory_space<hbm>> -> memref<88xi32, #tpu.memory_space<hbm>>
      tpu.wait_dma2 semaphore(%run_scoped3A : memref<!tpu.dma_semaphore, #tpu.memory_space<semaphore_mem>>) src(%dma_wait3A_32 : memref<88xi32, #tpu.memory_space<hbm>>) dst(%arg9 : memref<88xi32, #tpu.memory_space<vmem>>)
      tpu.yield
    }) : () -> ()
    %add3A_20 = arith.constant 176 : i32
    %add3A_21 = arith.addi %mul3A_4, %add3A_20 : i32
    "tpu.region"() ({
      %run_scoped3A = tpu.sem_alloc : memref<!tpu.dma_semaphore, #tpu.memory_space<semaphore_mem>>
      %dma_start3A_30 = tpu.memref_slice %arg4[%add3A_21] : memref<321024xi32, #tpu.memory_space<hbm>> -> memref<88xi32, #tpu.memory_space<hbm>>
      %dma_start3A_31 = tpu.memref_slice %arg4[%add3A_21] : memref<321024xi32, #tpu.memory_space<hbm>> -> memref<88xi32, #tpu.memory_space<hbm>>
      tpu.enqueue_dma source(%dma_start3A_31 : memref<88xi32, #tpu.memory_space<hbm>>) target(%arg12 : memref<88xi32, #tpu.memory_space<vmem>>) target_semaphore(%run_scoped3A : memref<!tpu.dma_semaphore, #tpu.memory_space<semaphore_mem>>)
      %dma_wait3A = tpu.memref_slice %arg4[%add3A_21] : memref<321024xi32, #tpu.memory_space<hbm>> -> memref<88xi32, #tpu.memory_space<hbm>>
      %dma_wait3A_32 = tpu.memref_slice %arg4[%add3A_21] : memref<321024xi32, #tpu.memory_space<hbm>> -> memref<88xi32, #tpu.memory_space<hbm>>
      tpu.wait_dma2 semaphore(%run_scoped3A : memref<!tpu.dma_semaphore, #tpu.memory_space<semaphore_mem>>) src(%dma_wait3A_32 : memref<88xi32, #tpu.memory_space<hbm>>) dst(%arg12 : memref<88xi32, #tpu.memory_space<vmem>>)
      tpu.yield
    }) : () -> ()
    %dma_start3A_22 = arith.constant 0 : i32
    %dma_start3A_23 = arith.constant 0 : i32
    %dma_start3A_24 = tpu.memref_slice %arg2[%dma_start3A_22, %dma_start3A_23] : memref<10000x128xf32, #tpu.memory_space<hbm>> -> memref<10000x128xf32, #tpu.memory_space<hbm>>
    tpu.enqueue_indirect_dma source(%dma_start3A_24 : memref<10000x128xf32, #tpu.memory_space<hbm>>) target(%arg15 : memref<88x128xf32, #tpu.memory_space<vmem>>) offsets(%arg9 : memref<88xi32, #tpu.memory_space<vmem>>) semaphore(%arg19 : memref<!tpu.dma_semaphore, #tpu.memory_space<semaphore_mem>>)
    %scan3A = arith.constant 0 : i32
    %scan3A_25 = arith.constant 38 : i32
    %scan3A_26 = arith.addi %scan3A, %scan3A_25 : i32
    %scan3A_27 = arith.constant 1 : i32
    scf.for %scan3A_30 = %scan3A to %scan3A_26 step %scan3A_27  : i32 {
      %mul3A_31 = arith.constant 3 : i32
      %mul3A_32 = arith.muli %scan3A_30, %mul3A_31 : i32
      %add3A_33 = arith.constant 0 : i32
      %add3A_34 = arith.addi %add3A_33, %mul3A_32 : i32
      %dma_wait3A = arith.constant 0 : i32
      %dma_wait3A_35 = arith.constant 0 : i32
      %dma_wait3A_36 = tpu.memref_slice %arg2[%dma_wait3A, %dma_wait3A_35] : memref<10000x128xf32, #tpu.memory_space<hbm>> -> memref<10000x128xf32, #tpu.memory_space<hbm>>
      tpu.wait_indirect_dma semaphore(%arg17 : memref<!tpu.dma_semaphore, #tpu.memory_space<semaphore_mem>>) src(%dma_wait3A_36 : memref<10000x128xf32, #tpu.memory_space<hbm>>) dst(%arg13 : memref<88x128xf32, #tpu.memory_space<vmem>>)
      "tpu.region"() ({
        %run_scoped3A = tpu.sem_alloc : memref<!tpu.dma_semaphore, #tpu.memory_space<semaphore_mem>>
        %dma_start3A_67 = arith.constant 0 : i32
        %dma_start3A_68 = arith.constant 0 : i32
        %dma_start3A_69 = tpu.memref_slice %arg16[%dma_start3A_67, %dma_start3A_68] : memref<10240x128xf32, #tpu.memory_space<vmem_shared>> -> memref<10240x128xf32, #tpu.memory_space<vmem_shared>>
        tpu.enqueue_indirect_dma source(%arg13 : memref<88x128xf32, #tpu.memory_space<vmem>>) target(%dma_start3A_69 : memref<10240x128xf32, #tpu.memory_space<vmem_shared>>) offsets(%arg10 : memref<88xi32, #tpu.memory_space<vmem>>) semaphore(%run_scoped3A : memref<!tpu.dma_semaphore, #tpu.memory_space<semaphore_mem>>) {add = true}
        %dma_wait3A_70 = arith.constant 0 : i32
        %dma_wait3A_71 = arith.constant 0 : i32
        %dma_wait3A_72 = tpu.memref_slice %arg16[%dma_wait3A_70, %dma_wait3A_71] : memref<10240x128xf32, #tpu.memory_space<vmem_shared>> -> memref<10240x128xf32, #tpu.memory_space<vmem_shared>>
        tpu.wait_indirect_dma semaphore(%run_scoped3A : memref<!tpu.dma_semaphore, #tpu.memory_space<semaphore_mem>>) src(%arg13 : memref<88x128xf32, #tpu.memory_space<vmem>>) dst(%dma_wait3A_72 : memref<10240x128xf32, #tpu.memory_space<vmem_shared>>)
        tpu.yield
      }) : () -> ()
      %add3A_37 = arith.constant 0 : i32
      %add3A_38 = arith.addi %add3A_34, %add3A_37 : i32
      %add3A_39 = arith.constant 3 : i32
      %add3A_40 = arith.addi %add3A_38, %add3A_39 : i32
      %lt3A = arith.constant 114 : i32
      %lt3A_41 = arith.cmpi slt, %add3A_40, %lt3A : i32
      %convert_element_type3A = arith.extui %lt3A_41 : i1 to i32
      %cond3A = arith.constant 0 : i32
      %cond3A_42 = arith.cmpi ne, %convert_element_type3A, %cond3A : i32
      scf.if %cond3A_42 {
        %mul3A_67 = arith.constant 88 : i32
        %mul3A_68 = arith.muli %add3A_40, %mul3A_67 : i32
        %add3A_69 = arith.addi %mul3A_4, %mul3A_68 : i32
        "tpu.region"() ({
          %run_scoped3A = tpu.sem_alloc : memref<!tpu.dma_semaphore, #tpu.memory_space<semaphore_mem>>
          %dma_start3A_73 = tpu.memref_slice %arg3[%add3A_69] : memref<321024xi32, #tpu.memory_space<hbm>> -> memref<88xi32, #tpu.memory_space<hbm>>
          %dma_start3A_74 = tpu.memref_slice %arg3[%add3A_69] : memref<321024xi32, #tpu.memory_space<hbm>> -> memref<88xi32, #tpu.memory_space<hbm>>
          tpu.enqueue_dma source(%dma_start3A_74 : memref<88xi32, #tpu.memory_space<hbm>>) target(%arg7 : memref<88xi32, #tpu.memory_space<vmem>>) target_semaphore(%run_scoped3A : memref<!tpu.dma_semaphore, #tpu.memory_space<semaphore_mem>>)
          %dma_wait3A_75 = tpu.memref_slice %arg3[%add3A_69] : memref<321024xi32, #tpu.memory_space<hbm>> -> memref<88xi32, #tpu.memory_space<hbm>>
          %dma_wait3A_76 = tpu.memref_slice %arg3[%add3A_69] : memref<321024xi32, #tpu.memory_space<hbm>> -> memref<88xi32, #tpu.memory_space<hbm>>
          tpu.wait_dma2 semaphore(%run_scoped3A : memref<!tpu.dma_semaphore, #tpu.memory_space<semaphore_mem>>) src(%dma_wait3A_76 : memref<88xi32, #tpu.memory_space<hbm>>) dst(%arg7 : memref<88xi32, #tpu.memory_space<vmem>>)
          tpu.yield
        }) : () -> ()
        "tpu.region"() ({
          %run_scoped3A = tpu.sem_alloc : memref<!tpu.dma_semaphore, #tpu.memory_space<semaphore_mem>>
          %dma_start3A_73 = tpu.memref_slice %arg4[%add3A_69] : memref<321024xi32, #tpu.memory_space<hbm>> -> memref<88xi32, #tpu.memory_space<hbm>>
          %dma_start3A_74 = tpu.memref_slice %arg4[%add3A_69] : memref<321024xi32, #tpu.memory_space<hbm>> -> memref<88xi32, #tpu.memory_space<hbm>>
          tpu.enqueue_dma source(%dma_start3A_74 : memref<88xi32, #tpu.memory_space<hbm>>) target(%arg10 : memref<88xi32, #tpu.memory_space<vmem>>) target_semaphore(%run_scoped3A : memref<!tpu.dma_semaphore, #tpu.memory_space<semaphore_mem>>)
          %dma_wait3A_75 = tpu.memref_slice %arg4[%add3A_69] : memref<321024xi32, #tpu.memory_space<hbm>> -> memref<88xi32, #tpu.memory_space<hbm>>
          %dma_wait3A_76 = tpu.memref_slice %arg4[%add3A_69] : memref<321024xi32, #tpu.memory_space<hbm>> -> memref<88xi32, #tpu.memory_space<hbm>>
          tpu.wait_dma2 semaphore(%run_scoped3A : memref<!tpu.dma_semaphore, #tpu.memory_space<semaphore_mem>>) src(%dma_wait3A_76 : memref<88xi32, #tpu.memory_space<hbm>>) dst(%arg10 : memref<88xi32, #tpu.memory_space<vmem>>)
          tpu.yield
        }) : () -> ()
        %dma_start3A_70 = arith.constant 0 : i32
        %dma_start3A_71 = arith.constant 0 : i32
        %dma_start3A_72 = tpu.memref_slice %arg2[%dma_start3A_70, %dma_start3A_71] : memref<10000x128xf32, #tpu.memory_space<hbm>> -> memref<10000x128xf32, #tpu.memory_space<hbm>>
        tpu.enqueue_indirect_dma source(%dma_start3A_72 : memref<10000x128xf32, #tpu.memory_space<hbm>>) target(%arg13 : memref<88x128xf32, #tpu.memory_space<vmem>>) offsets(%arg7 : memref<88xi32, #tpu.memory_space<vmem>>) semaphore(%arg17 : memref<!tpu.dma_semaphore, #tpu.memory_space<semaphore_mem>>)
      } else {
      }
      %dma_wait3A_43 = arith.constant 0 : i32
      %dma_wait3A_44 = arith.constant 0 : i32
      %dma_wait3A_45 = tpu.memref_slice %arg2[%dma_wait3A_43, %dma_wait3A_44] : memref<10000x128xf32, #tpu.memory_space<hbm>> -> memref<10000x128xf32, #tpu.memory_space<hbm>>
      tpu.wait_indirect_dma semaphore(%arg18 : memref<!tpu.dma_semaphore, #tpu.memory_space<semaphore_mem>>) src(%dma_wait3A_45 : memref<10000x128xf32, #tpu.memory_space<hbm>>) dst(%arg14 : memref<88x128xf32, #tpu.memory_space<vmem>>)
      "tpu.region"() ({
        %run_scoped3A = tpu.sem_alloc : memref<!tpu.dma_semaphore, #tpu.memory_space<semaphore_mem>>
        %dma_start3A_67 = arith.constant 0 : i32
        %dma_start3A_68 = arith.constant 0 : i32
        %dma_start3A_69 = tpu.memref_slice %arg16[%dma_start3A_67, %dma_start3A_68] : memref<10240x128xf32, #tpu.memory_space<vmem_shared>> -> memref<10240x128xf32, #tpu.memory_space<vmem_shared>>
        tpu.enqueue_indirect_dma source(%arg14 : memref<88x128xf32, #tpu.memory_space<vmem>>) target(%dma_start3A_69 : memref<10240x128xf32, #tpu.memory_space<vmem_shared>>) offsets(%arg11 : memref<88xi32, #tpu.memory_space<vmem>>) semaphore(%run_scoped3A : memref<!tpu.dma_semaphore, #tpu.memory_space<semaphore_mem>>) {add = true}
        %dma_wait3A_70 = arith.constant 0 : i32
        %dma_wait3A_71 = arith.constant 0 : i32
        %dma_wait3A_72 = tpu.memref_slice %arg16[%dma_wait3A_70, %dma_wait3A_71] : memref<10240x128xf32, #tpu.memory_space<vmem_shared>> -> memref<10240x128xf32, #tpu.memory_space<vmem_shared>>
        tpu.wait_indirect_dma semaphore(%run_scoped3A : memref<!tpu.dma_semaphore, #tpu.memory_space<semaphore_mem>>) src(%arg14 : memref<88x128xf32, #tpu.memory_space<vmem>>) dst(%dma_wait3A_72 : memref<10240x128xf32, #tpu.memory_space<vmem_shared>>)
        tpu.yield
      }) : () -> ()
      %add3A_46 = arith.constant 1 : i32
      %add3A_47 = arith.addi %add3A_34, %add3A_46 : i32
      %add3A_48 = arith.constant 3 : i32
      %add3A_49 = arith.addi %add3A_47, %add3A_48 : i32
      %lt3A_50 = arith.constant 114 : i32
      %lt3A_51 = arith.cmpi slt, %add3A_49, %lt3A_50 : i32
      %convert_element_type3A_52 = arith.extui %lt3A_51 : i1 to i32
      %cond3A_53 = arith.constant 0 : i32
      %cond3A_54 = arith.cmpi ne, %convert_element_type3A_52, %cond3A_53 : i32
      scf.if %cond3A_54 {
        %mul3A_67 = arith.constant 88 : i32
        %mul3A_68 = arith.muli %add3A_49, %mul3A_67 : i32
        %add3A_69 = arith.addi %mul3A_4, %mul3A_68 : i32
        "tpu.region"() ({
          %run_scoped3A = tpu.sem_alloc : memref<!tpu.dma_semaphore, #tpu.memory_space<semaphore_mem>>
          %dma_start3A_73 = tpu.memref_slice %arg3[%add3A_69] : memref<321024xi32, #tpu.memory_space<hbm>> -> memref<88xi32, #tpu.memory_space<hbm>>
          %dma_start3A_74 = tpu.memref_slice %arg3[%add3A_69] : memref<321024xi32, #tpu.memory_space<hbm>> -> memref<88xi32, #tpu.memory_space<hbm>>
          tpu.enqueue_dma source(%dma_start3A_74 : memref<88xi32, #tpu.memory_space<hbm>>) target(%arg8 : memref<88xi32, #tpu.memory_space<vmem>>) target_semaphore(%run_scoped3A : memref<!tpu.dma_semaphore, #tpu.memory_space<semaphore_mem>>)
          %dma_wait3A_75 = tpu.memref_slice %arg3[%add3A_69] : memref<321024xi32, #tpu.memory_space<hbm>> -> memref<88xi32, #tpu.memory_space<hbm>>
          %dma_wait3A_76 = tpu.memref_slice %arg3[%add3A_69] : memref<321024xi32, #tpu.memory_space<hbm>> -> memref<88xi32, #tpu.memory_space<hbm>>
          tpu.wait_dma2 semaphore(%run_scoped3A : memref<!tpu.dma_semaphore, #tpu.memory_space<semaphore_mem>>) src(%dma_wait3A_76 : memref<88xi32, #tpu.memory_space<hbm>>) dst(%arg8 : memref<88xi32, #tpu.memory_space<vmem>>)
          tpu.yield
        }) : () -> ()
        "tpu.region"() ({
          %run_scoped3A = tpu.sem_alloc : memref<!tpu.dma_semaphore, #tpu.memory_space<semaphore_mem>>
          %dma_start3A_73 = tpu.memref_slice %arg4[%add3A_69] : memref<321024xi32, #tpu.memory_space<hbm>> -> memref<88xi32, #tpu.memory_space<hbm>>
          %dma_start3A_74 = tpu.memref_slice %arg4[%add3A_69] : memref<321024xi32, #tpu.memory_space<hbm>> -> memref<88xi32, #tpu.memory_space<hbm>>
          tpu.enqueue_dma source(%dma_start3A_74 : memref<88xi32, #tpu.memory_space<hbm>>) target(%arg11 : memref<88xi32, #tpu.memory_space<vmem>>) target_semaphore(%run_scoped3A : memref<!tpu.dma_semaphore, #tpu.memory_space<semaphore_mem>>)
          %dma_wait3A_75 = tpu.memref_slice %arg4[%add3A_69] : memref<321024xi32, #tpu.memory_space<hbm>> -> memref<88xi32, #tpu.memory_space<hbm>>
          %dma_wait3A_76 = tpu.memref_slice %arg4[%add3A_69] : memref<321024xi32, #tpu.memory_space<hbm>> -> memref<88xi32, #tpu.memory_space<hbm>>
          tpu.wait_dma2 semaphore(%run_scoped3A : memref<!tpu.dma_semaphore, #tpu.memory_space<semaphore_mem>>) src(%dma_wait3A_76 : memref<88xi32, #tpu.memory_space<hbm>>) dst(%arg11 : memref<88xi32, #tpu.memory_space<vmem>>)
          tpu.yield
        }) : () -> ()
        %dma_start3A_70 = arith.constant 0 : i32
        %dma_start3A_71 = arith.constant 0 : i32
        %dma_start3A_72 = tpu.memref_slice %arg2[%dma_start3A_70, %dma_start3A_71] : memref<10000x128xf32, #tpu.memory_space<hbm>> -> memref<10000x128xf32, #tpu.memory_space<hbm>>
        tpu.enqueue_indirect_dma source(%dma_start3A_72 : memref<10000x128xf32, #tpu.memory_space<hbm>>) target(%arg14 : memref<88x128xf32, #tpu.memory_space<vmem>>) offsets(%arg8 : memref<88xi32, #tpu.memory_space<vmem>>) semaphore(%arg18 : memref<!tpu.dma_semaphore, #tpu.memory_space<semaphore_mem>>)
      } else {
      }
      %dma_wait3A_55 = arith.constant 0 : i32
      %dma_wait3A_56 = arith.constant 0 : i32
      %dma_wait3A_57 = tpu.memref_slice %arg2[%dma_wait3A_55, %dma_wait3A_56] : memref<10000x128xf32, #tpu.memory_space<hbm>> -> memref<10000x128xf32, #tpu.memory_space<hbm>>
      tpu.wait_indirect_dma semaphore(%arg19 : memref<!tpu.dma_semaphore, #tpu.memory_space<semaphore_mem>>) src(%dma_wait3A_57 : memref<10000x128xf32, #tpu.memory_space<hbm>>) dst(%arg15 : memref<88x128xf32, #tpu.memory_space<vmem>>)
      "tpu.region"() ({
        %run_scoped3A = tpu.sem_alloc : memref<!tpu.dma_semaphore, #tpu.memory_space<semaphore_mem>>
        %dma_start3A_67 = arith.constant 0 : i32
        %dma_start3A_68 = arith.constant 0 : i32
        %dma_start3A_69 = tpu.memref_slice %arg16[%dma_start3A_67, %dma_start3A_68] : memref<10240x128xf32, #tpu.memory_space<vmem_shared>> -> memref<10240x128xf32, #tpu.memory_space<vmem_shared>>
        tpu.enqueue_indirect_dma source(%arg15 : memref<88x128xf32, #tpu.memory_space<vmem>>) target(%dma_start3A_69 : memref<10240x128xf32, #tpu.memory_space<vmem_shared>>) offsets(%arg12 : memref<88xi32, #tpu.memory_space<vmem>>) semaphore(%run_scoped3A : memref<!tpu.dma_semaphore, #tpu.memory_space<semaphore_mem>>) {add = true}
        %dma_wait3A_70 = arith.constant 0 : i32
        %dma_wait3A_71 = arith.constant 0 : i32
        %dma_wait3A_72 = tpu.memref_slice %arg16[%dma_wait3A_70, %dma_wait3A_71] : memref<10240x128xf32, #tpu.memory_space<vmem_shared>> -> memref<10240x128xf32, #tpu.memory_space<vmem_shared>>
        tpu.wait_indirect_dma semaphore(%run_scoped3A : memref<!tpu.dma_semaphore, #tpu.memory_space<semaphore_mem>>) src(%arg15 : memref<88x128xf32, #tpu.memory_space<vmem>>) dst(%dma_wait3A_72 : memref<10240x128xf32, #tpu.memory_space<vmem_shared>>)
        tpu.yield
      }) : () -> ()
      %add3A_58 = arith.constant 2 : i32
      %add3A_59 = arith.addi %add3A_34, %add3A_58 : i32
      %add3A_60 = arith.constant 3 : i32
      %add3A_61 = arith.addi %add3A_59, %add3A_60 : i32
      %lt3A_62 = arith.constant 114 : i32
      %lt3A_63 = arith.cmpi slt, %add3A_61, %lt3A_62 : i32
      %convert_element_type3A_64 = arith.extui %lt3A_63 : i1 to i32
      %cond3A_65 = arith.constant 0 : i32
      %cond3A_66 = arith.cmpi ne, %convert_element_type3A_64, %cond3A_65 : i32
      scf.if %cond3A_66 {
        %mul3A_67 = arith.constant 88 : i32
        %mul3A_68 = arith.muli %add3A_61, %mul3A_67 : i32
        %add3A_69 = arith.addi %mul3A_4, %mul3A_68 : i32
        "tpu.region"() ({
          %run_scoped3A = tpu.sem_alloc : memref<!tpu.dma_semaphore, #tpu.memory_space<semaphore_mem>>
          %dma_start3A_73 = tpu.memref_slice %arg3[%add3A_69] : memref<321024xi32, #tpu.memory_space<hbm>> -> memref<88xi32, #tpu.memory_space<hbm>>
          %dma_start3A_74 = tpu.memref_slice %arg3[%add3A_69] : memref<321024xi32, #tpu.memory_space<hbm>> -> memref<88xi32, #tpu.memory_space<hbm>>
          tpu.enqueue_dma source(%dma_start3A_74 : memref<88xi32, #tpu.memory_space<hbm>>) target(%arg9 : memref<88xi32, #tpu.memory_space<vmem>>) target_semaphore(%run_scoped3A : memref<!tpu.dma_semaphore, #tpu.memory_space<semaphore_mem>>)
          %dma_wait3A_75 = tpu.memref_slice %arg3[%add3A_69] : memref<321024xi32, #tpu.memory_space<hbm>> -> memref<88xi32, #tpu.memory_space<hbm>>
          %dma_wait3A_76 = tpu.memref_slice %arg3[%add3A_69] : memref<321024xi32, #tpu.memory_space<hbm>> -> memref<88xi32, #tpu.memory_space<hbm>>
          tpu.wait_dma2 semaphore(%run_scoped3A : memref<!tpu.dma_semaphore, #tpu.memory_space<semaphore_mem>>) src(%dma_wait3A_76 : memref<88xi32, #tpu.memory_space<hbm>>) dst(%arg9 : memref<88xi32, #tpu.memory_space<vmem>>)
          tpu.yield
        }) : () -> ()
        "tpu.region"() ({
          %run_scoped3A = tpu.sem_alloc : memref<!tpu.dma_semaphore, #tpu.memory_space<semaphore_mem>>
          %dma_start3A_73 = tpu.memref_slice %arg4[%add3A_69] : memref<321024xi32, #tpu.memory_space<hbm>> -> memref<88xi32, #tpu.memory_space<hbm>>
          %dma_start3A_74 = tpu.memref_slice %arg4[%add3A_69] : memref<321024xi32, #tpu.memory_space<hbm>> -> memref<88xi32, #tpu.memory_space<hbm>>
          tpu.enqueue_dma source(%dma_start3A_74 : memref<88xi32, #tpu.memory_space<hbm>>) target(%arg12 : memref<88xi32, #tpu.memory_space<vmem>>) target_semaphore(%run_scoped3A : memref<!tpu.dma_semaphore, #tpu.memory_space<semaphore_mem>>)
          %dma_wait3A_75 = tpu.memref_slice %arg4[%add3A_69] : memref<321024xi32, #tpu.memory_space<hbm>> -> memref<88xi32, #tpu.memory_space<hbm>>
          %dma_wait3A_76 = tpu.memref_slice %arg4[%add3A_69] : memref<321024xi32, #tpu.memory_space<hbm>> -> memref<88xi32, #tpu.memory_space<hbm>>
          tpu.wait_dma2 semaphore(%run_scoped3A : memref<!tpu.dma_semaphore, #tpu.memory_space<semaphore_mem>>) src(%dma_wait3A_76 : memref<88xi32, #tpu.memory_space<hbm>>) dst(%arg12 : memref<88xi32, #tpu.memory_space<vmem>>)
          tpu.yield
        }) : () -> ()
        %dma_start3A_70 = arith.constant 0 : i32
        %dma_start3A_71 = arith.constant 0 : i32
        %dma_start3A_72 = tpu.memref_slice %arg2[%dma_start3A_70, %dma_start3A_71] : memref<10000x128xf32, #tpu.memory_space<hbm>> -> memref<10000x128xf32, #tpu.memory_space<hbm>>
        tpu.enqueue_indirect_dma source(%dma_start3A_72 : memref<10000x128xf32, #tpu.memory_space<hbm>>) target(%arg15 : memref<88x128xf32, #tpu.memory_space<vmem>>) offsets(%arg9 : memref<88xi32, #tpu.memory_space<vmem>>) semaphore(%arg19 : memref<!tpu.dma_semaphore, #tpu.memory_space<semaphore_mem>>)
      } else {
      }
    }
    %scan3A_28 = arith.constant 38 : i32
    %barrier3A_29 = arith.constant 0 : index
    tpu.barrier barrier_id(%barrier3A_29)
    "tpu.region"() ({
      %run_scoped3A = tpu.sem_alloc : memref<!tpu.dma_semaphore, #tpu.memory_space<semaphore_mem>>
      %dma_start3A_30 = arith.constant 0 : i32
      %dma_start3A_31 = tpu.memref_slice %arg6[%arg0, %mul3A_2, %dma_start3A_30] : memref<2x10240x128xf32, #tpu.memory_space<hbm>> -> memref<1x640x128xf32, #tpu.memory_space<hbm>>
      %dma_start3A_32 = tpu.memref_squeeze %dma_start3A_31 : memref<1x640x128xf32, #tpu.memory_space<hbm>> -> memref<640x128xf32, #tpu.memory_space<hbm>>
      %dma_start3A_33 = arith.constant 0 : i32
      %dma_start3A_34 = tpu.memref_slice %arg16[%mul3A_2, %dma_start3A_33] : memref<10240x128xf32, #tpu.memory_space<vmem_shared>> -> memref<640x128xf32, #tpu.memory_space<vmem_shared>>
      tpu.enqueue_dma source(%dma_start3A_34 : memref<640x128xf32, #tpu.memory_space<vmem_shared>>) target(%dma_start3A_32 : memref<640x128xf32, #tpu.memory_space<hbm>>) target_semaphore(%run_scoped3A : memref<!tpu.dma_semaphore, #tpu.memory_space<semaphore_mem>>)
      %dma_wait3A = arith.constant 0 : i32
      %dma_wait3A_35 = tpu.memref_slice %arg6[%arg0, %mul3A_2, %dma_wait3A] : memref<2x10240x128xf32, #tpu.memory_space<hbm>> -> memref<1x640x128xf32, #tpu.memory_space<hbm>>
      %dma_wait3A_36 = tpu.memref_squeeze %dma_wait3A_35 : memref<1x640x128xf32, #tpu.memory_space<hbm>> -> memref<640x128xf32, #tpu.memory_space<hbm>>
      %dma_wait3A_37 = arith.constant 0 : i32
      %dma_wait3A_38 = tpu.memref_slice %arg16[%mul3A_2, %dma_wait3A_37] : memref<10240x128xf32, #tpu.memory_space<vmem_shared>> -> memref<640x128xf32, #tpu.memory_space<vmem_shared>>
      tpu.wait_dma2 semaphore(%run_scoped3A : memref<!tpu.dma_semaphore, #tpu.memory_space<semaphore_mem>>) src(%dma_wait3A_38 : memref<640x128xf32, #tpu.memory_space<vmem_shared>>) dst(%dma_wait3A_36 : memref<640x128xf32, #tpu.memory_space<hbm>>)
      tpu.yield
    }) : () -> ()
    return
  }
}

module attributes {stable_mosaic.version = 14 : i64} {
  func.func @_tc_layer_body(%arg0: memref<10000x128xf32, #tpu.memory_space<vmem>>, %arg1: memref<2x10240x128xf32, #tpu.memory_space<vmem>>, %arg2: memref<1x10000xi32, #tpu.memory_space<vmem>>, %arg3: memref<128x128xf32, #tpu.memory_space<vmem>>, %arg4: memref<1x128xf32, #tpu.memory_space<vmem>>, %arg5: memref<1x128xf32, #tpu.memory_space<vmem>>, %arg6: memref<1x128xf32, #tpu.memory_space<vmem>>, %arg7: memref<128x128xf32, #tpu.memory_space<vmem>>, %arg8: memref<1x128xf32, #tpu.memory_space<vmem>>, %arg9: memref<10000x128xf32, #tpu.memory_space<vmem>>, %arg10: memref<64x128xf32, #tpu.memory_space<vmem>>) attributes {dimension_semantics = [], scalar_prefetch = 0 : i64, scratch_operands = 0 : i64, tpu.core_type = #tpu.core_type<tc>} {
    %get3A = arith.constant 0 : index
    %get3A_0 = arith.constant 0 : index
    %get3A_1 = vector.load %arg0[%get3A, %get3A_0] : memref<10000x128xf32, #tpu.memory_space<vmem>>, vector<10000x128xf32>
    %get3A_2 = arith.constant 0 : index
    %get3A_3 = arith.constant 0 : index
    %get3A_4 = arith.constant 0 : index
    %get3A_5 = vector.load %arg1[%get3A_2, %get3A_3, %get3A_4] : memref<2x10240x128xf32, #tpu.memory_space<vmem>>, vector<1x10000x128xf32>
    %get3A_6 = vector.shape_cast %get3A_5 : vector<1x10000x128xf32> to vector<10000x128xf32>
    %add3A = arith.addf %get3A_1, %get3A_6 : vector<10000x128xf32>
    %get3A_7 = arith.constant 1 : index
    %get3A_8 = arith.constant 0 : index
    %get3A_9 = arith.constant 0 : index
    %get3A_10 = vector.load %arg1[%get3A_7, %get3A_8, %get3A_9] : memref<2x10240x128xf32, #tpu.memory_space<vmem>>, vector<1x10000x128xf32>
    %get3A_11 = vector.shape_cast %get3A_10 : vector<1x10000x128xf32> to vector<10000x128xf32>
    %add3A_12 = arith.addf %add3A, %get3A_11 : vector<10000x128xf32>
    %get3A_13 = arith.constant 0 : index
    %get3A_14 = arith.constant 0 : index
    %get3A_15 = vector.load %arg3[%get3A_13, %get3A_14] : memref<128x128xf32, #tpu.memory_space<vmem>>, vector<128x128xf32>
    %dot_general3A = arith.constant dense<0.000000e+00> : vector<10000x128xf32>
    %dot_general3A_16 = tpu.matmul %add3A_12, %get3A_15, %dot_general3A {dimension_numbers = #tpu.dot_dimension_numbers<[1], [0], [0], [1], [0, 0, 1, 1], [], []>, transpose_lhs_hint = false} : vector<10000x128xf32>, vector<128x128xf32>, vector<10000x128xf32> -> vector<10000x128xf32>
    %get3A_17 = arith.constant 0 : index
    %get3A_18 = arith.constant 0 : index
    %get3A_19 = vector.load %arg4[%get3A_17, %get3A_18] : memref<1x128xf32, #tpu.memory_space<vmem>>, vector<1x128xf32>
    %add3A_20 = vector.broadcast %get3A_19 : vector<1x128xf32> to vector<10000x128xf32>
    %add3A_21 = arith.addf %dot_general3A_16, %add3A_20 : vector<10000x128xf32>
    %reduce_sum3A = arith.constant dense<0.000000e+00> : vector<128xf32>
    %reduce_sum3A_22 = vector.multi_reduction <add>, %add3A_21, %reduce_sum3A [0] : vector<10000x128xf32> to vector<128xf32>
    %broadcast_in_dim3A = vector.shape_cast %reduce_sum3A_22 : vector<128xf32> to vector<1x128xf32>
    %div3A = arith.constant 1.000000e+04 : f32
    %div3A_23 = vector.broadcast %div3A : f32 to vector<1x128xf32>
    %div3A_24 = arith.divf %broadcast_in_dim3A, %div3A_23 : vector<1x128xf32>
    %sub3A = vector.broadcast %div3A_24 : vector<1x128xf32> to vector<10000x128xf32>
    %sub3A_25 = arith.subf %add3A_21, %sub3A : vector<10000x128xf32>
    %sub3A_26 = vector.broadcast %div3A_24 : vector<1x128xf32> to vector<10000x128xf32>
    %sub3A_27 = arith.subf %add3A_21, %sub3A_26 : vector<10000x128xf32>
    %mul3A = arith.mulf %sub3A_25, %sub3A_27 : vector<10000x128xf32>
    %reduce_sum3A_28 = arith.constant dense<0.000000e+00> : vector<128xf32>
    %reduce_sum3A_29 = vector.multi_reduction <add>, %mul3A, %reduce_sum3A_28 [0] : vector<10000x128xf32> to vector<128xf32>
    %broadcast_in_dim3A_30 = vector.shape_cast %reduce_sum3A_29 : vector<128xf32> to vector<1x128xf32>
    %div3A_31 = arith.constant 1.000000e+04 : f32
    %div3A_32 = vector.broadcast %div3A_31 : f32 to vector<1x128xf32>
    %div3A_33 = arith.divf %broadcast_in_dim3A_30, %div3A_32 : vector<1x128xf32>
    %sub3A_34 = vector.broadcast %div3A_24 : vector<1x128xf32> to vector<10000x128xf32>
    %sub3A_35 = arith.subf %add3A_21, %sub3A_34 : vector<10000x128xf32>
    %add3A_36 = arith.constant 9.99999974E-6 : f32
    %add3A_37 = vector.broadcast %add3A_36 : f32 to vector<1x128xf32>
    %add3A_38 = arith.addf %div3A_33, %add3A_37 : vector<1x128xf32>
    %sqrt3A = math.sqrt %add3A_38 : vector<1x128xf32>
    %div3A_39 = vector.broadcast %sqrt3A : vector<1x128xf32> to vector<10000x128xf32>
    %div3A_40 = arith.divf %sub3A_35, %div3A_39 : vector<10000x128xf32>
    %get3A_41 = arith.constant 0 : index
    %get3A_42 = arith.constant 0 : index
    %get3A_43 = vector.load %arg5[%get3A_41, %get3A_42] : memref<1x128xf32, #tpu.memory_space<vmem>>, vector<1x128xf32>
    %mul3A_44 = vector.broadcast %get3A_43 : vector<1x128xf32> to vector<10000x128xf32>
    %mul3A_45 = arith.mulf %div3A_40, %mul3A_44 : vector<10000x128xf32>
    %get3A_46 = arith.constant 0 : index
    %get3A_47 = arith.constant 0 : index
    %get3A_48 = vector.load %arg6[%get3A_46, %get3A_47] : memref<1x128xf32, #tpu.memory_space<vmem>>, vector<1x128xf32>
    %add3A_49 = vector.broadcast %get3A_48 : vector<1x128xf32> to vector<10000x128xf32>
    %add3A_50 = arith.addf %mul3A_45, %add3A_49 : vector<10000x128xf32>
    %max3A = arith.constant 0.000000e+00 : f32
    %max3A_51 = vector.broadcast %max3A : f32 to vector<10000x128xf32>
    %max3A_52 = arith.maximumf %add3A_50, %max3A_51 : vector<10000x128xf32>
    %get3A_53 = arith.constant 0 : index
    %get3A_54 = arith.constant 0 : index
    %get3A_55 = vector.load %arg7[%get3A_53, %get3A_54] : memref<128x128xf32, #tpu.memory_space<vmem>>, vector<128x128xf32>
    %dot_general3A_56 = arith.constant dense<0.000000e+00> : vector<10000x128xf32>
    %dot_general3A_57 = tpu.matmul %max3A_52, %get3A_55, %dot_general3A_56 {dimension_numbers = #tpu.dot_dimension_numbers<[1], [0], [0], [1], [0, 0, 1, 1], [], []>, transpose_lhs_hint = false} : vector<10000x128xf32>, vector<128x128xf32>, vector<10000x128xf32> -> vector<10000x128xf32>
    %get3A_58 = arith.constant 0 : index
    %get3A_59 = arith.constant 0 : index
    %get3A_60 = vector.load %arg8[%get3A_58, %get3A_59] : memref<1x128xf32, #tpu.memory_space<vmem>>, vector<1x128xf32>
    %add3A_61 = vector.broadcast %get3A_60 : vector<1x128xf32> to vector<10000x128xf32>
    %add3A_62 = arith.addf %dot_general3A_57, %add3A_61 : vector<10000x128xf32>
    %swap3A = arith.constant 0 : index
    %swap3A_63 = arith.constant 0 : index
    %swap3A_64 = vector.load %arg9[%swap3A, %swap3A_63] : memref<10000x128xf32, #tpu.memory_space<vmem>>, vector<10000x128xf32>
    tpu.vector_store %arg9[%swap3A, %swap3A_63], %add3A_62 {strides = array<i32>} : memref<10000x128xf32, #tpu.memory_space<vmem>>, vector<10000x128xf32>,
    %iota3A = tpu.iota {dimensions = array<i32: 0>} : vector<64x10000xi32>
    %get3A_65 = arith.constant 0 : index
    %get3A_66 = arith.constant 0 : index
    %get3A_67 = vector.load %arg2[%get3A_65, %get3A_66] : memref<1x10000xi32, #tpu.memory_space<vmem>>, vector<1x10000xi32>
    %eq3A = vector.broadcast %get3A_67 : vector<1x10000xi32> to vector<64x10000xi32>
    %eq3A_68 = arith.cmpi eq, %iota3A, %eq3A : vector<64x10000xi32>
    %convert_element_type3A = arith.extui %eq3A_68 : vector<64x10000xi1> to vector<64x10000xi32>
    %convert_element_type3A_69 = arith.sitofp %convert_element_type3A : vector<64x10000xi32> to vector<64x10000xf32>
    %dot_general3A_70 = arith.constant dense<0.000000e+00> : vector<64x128xf32>
    %dot_general3A_71 = tpu.matmul %convert_element_type3A_69, %add3A_62, %dot_general3A_70 {dimension_numbers = #tpu.dot_dimension_numbers<[1], [0], [0], [1], [0, 0, 1, 1], [], []>, precision = #tpu.contract_precision<fp32>, transpose_lhs_hint = false} : vector<64x10000xf32>, vector<10000x128xf32>, vector<64x128xf32> -> vector<64x128xf32>
    %swap3A_72 = arith.constant 0 : index
    %swap3A_73 = arith.constant 0 : index
    %swap3A_74 = vector.load %arg10[%swap3A_72, %swap3A_73] : memref<64x128xf32, #tpu.memory_space<vmem>>, vector<64x128xf32>
    tpu.vector_store %arg10[%swap3A_72, %swap3A_73], %dot_general3A_71 {strides = array<i32>} : memref<64x128xf32, #tpu.memory_space<vmem>>, vector<64x128xf32>,
    return
  }
}

module attributes {stable_mosaic.version = 14 : i64} {
  func.func @_tc_layer_body(%arg0: memref<10000x128xf32, #tpu.memory_space<vmem>>, %arg1: memref<2x10240x128xf32, #tpu.memory_space<vmem>>, %arg2: memref<1x10000xi32, #tpu.memory_space<vmem>>, %arg3: memref<128x128xf32, #tpu.memory_space<vmem>>, %arg4: memref<1x128xf32, #tpu.memory_space<vmem>>, %arg5: memref<1x128xf32, #tpu.memory_space<vmem>>, %arg6: memref<1x128xf32, #tpu.memory_space<vmem>>, %arg7: memref<128x128xf32, #tpu.memory_space<vmem>>, %arg8: memref<1x128xf32, #tpu.memory_space<vmem>>, %arg9: memref<10000x128xf32, #tpu.memory_space<vmem>>, %arg10: memref<64x128xf32, #tpu.memory_space<vmem>>) attributes {dimension_semantics = [], scalar_prefetch = 0 : i64, scratch_operands = 0 : i64, tpu.core_type = #tpu.core_type<tc>} {
    %get3A = arith.constant 0 : index
    %get3A_0 = arith.constant 0 : index
    %get3A_1 = vector.load %arg0[%get3A, %get3A_0] : memref<10000x128xf32, #tpu.memory_space<vmem>>, vector<10000x128xf32>
    %get3A_2 = arith.constant 0 : index
    %get3A_3 = arith.constant 0 : index
    %get3A_4 = arith.constant 0 : index
    %get3A_5 = vector.load %arg1[%get3A_2, %get3A_3, %get3A_4] : memref<2x10240x128xf32, #tpu.memory_space<vmem>>, vector<1x10000x128xf32>
    %get3A_6 = vector.shape_cast %get3A_5 : vector<1x10000x128xf32> to vector<10000x128xf32>
    %add3A = arith.addf %get3A_1, %get3A_6 : vector<10000x128xf32>
    %get3A_7 = arith.constant 1 : index
    %get3A_8 = arith.constant 0 : index
    %get3A_9 = arith.constant 0 : index
    %get3A_10 = vector.load %arg1[%get3A_7, %get3A_8, %get3A_9] : memref<2x10240x128xf32, #tpu.memory_space<vmem>>, vector<1x10000x128xf32>
    %get3A_11 = vector.shape_cast %get3A_10 : vector<1x10000x128xf32> to vector<10000x128xf32>
    %add3A_12 = arith.addf %add3A, %get3A_11 : vector<10000x128xf32>
    %get3A_13 = arith.constant 0 : index
    %get3A_14 = arith.constant 0 : index
    %get3A_15 = vector.load %arg3[%get3A_13, %get3A_14] : memref<128x128xf32, #tpu.memory_space<vmem>>, vector<128x128xf32>
    %dot_general3A = arith.constant dense<0.000000e+00> : vector<10000x128xf32>
    %dot_general3A_16 = tpu.matmul %add3A_12, %get3A_15, %dot_general3A {dimension_numbers = #tpu.dot_dimension_numbers<[1], [0], [0], [1], [0, 0, 1, 1], [], []>, transpose_lhs_hint = false} : vector<10000x128xf32>, vector<128x128xf32>, vector<10000x128xf32> -> vector<10000x128xf32>
    %get3A_17 = arith.constant 0 : index
    %get3A_18 = arith.constant 0 : index
    %get3A_19 = vector.load %arg4[%get3A_17, %get3A_18] : memref<1x128xf32, #tpu.memory_space<vmem>>, vector<1x128xf32>
    %add3A_20 = vector.broadcast %get3A_19 : vector<1x128xf32> to vector<10000x128xf32>
    %add3A_21 = arith.addf %dot_general3A_16, %add3A_20 : vector<10000x128xf32>
    %reduce_sum3A = arith.constant dense<0.000000e+00> : vector<128xf32>
    %reduce_sum3A_22 = vector.multi_reduction <add>, %add3A_21, %reduce_sum3A [0] : vector<10000x128xf32> to vector<128xf32>
    %broadcast_in_dim3A = vector.shape_cast %reduce_sum3A_22 : vector<128xf32> to vector<1x128xf32>
    %div3A = arith.constant 1.000000e+04 : f32
    %div3A_23 = vector.broadcast %div3A : f32 to vector<1x128xf32>
    %div3A_24 = arith.divf %broadcast_in_dim3A, %div3A_23 : vector<1x128xf32>
    %sub3A = vector.broadcast %div3A_24 : vector<1x128xf32> to vector<10000x128xf32>
    %sub3A_25 = arith.subf %add3A_21, %sub3A : vector<10000x128xf32>
    %sub3A_26 = vector.broadcast %div3A_24 : vector<1x128xf32> to vector<10000x128xf32>
    %sub3A_27 = arith.subf %add3A_21, %sub3A_26 : vector<10000x128xf32>
    %mul3A = arith.mulf %sub3A_25, %sub3A_27 : vector<10000x128xf32>
    %reduce_sum3A_28 = arith.constant dense<0.000000e+00> : vector<128xf32>
    %reduce_sum3A_29 = vector.multi_reduction <add>, %mul3A, %reduce_sum3A_28 [0] : vector<10000x128xf32> to vector<128xf32>
    %broadcast_in_dim3A_30 = vector.shape_cast %reduce_sum3A_29 : vector<128xf32> to vector<1x128xf32>
    %div3A_31 = arith.constant 1.000000e+04 : f32
    %div3A_32 = vector.broadcast %div3A_31 : f32 to vector<1x128xf32>
    %div3A_33 = arith.divf %broadcast_in_dim3A_30, %div3A_32 : vector<1x128xf32>
    %sub3A_34 = vector.broadcast %div3A_24 : vector<1x128xf32> to vector<10000x128xf32>
    %sub3A_35 = arith.subf %add3A_21, %sub3A_34 : vector<10000x128xf32>
    %add3A_36 = arith.constant 9.99999974E-6 : f32
    %add3A_37 = vector.broadcast %add3A_36 : f32 to vector<1x128xf32>
    %add3A_38 = arith.addf %div3A_33, %add3A_37 : vector<1x128xf32>
    %sqrt3A = math.sqrt %add3A_38 : vector<1x128xf32>
    %div3A_39 = vector.broadcast %sqrt3A : vector<1x128xf32> to vector<10000x128xf32>
    %div3A_40 = arith.divf %sub3A_35, %div3A_39 : vector<10000x128xf32>
    %get3A_41 = arith.constant 0 : index
    %get3A_42 = arith.constant 0 : index
    %get3A_43 = vector.load %arg5[%get3A_41, %get3A_42] : memref<1x128xf32, #tpu.memory_space<vmem>>, vector<1x128xf32>
    %mul3A_44 = vector.broadcast %get3A_43 : vector<1x128xf32> to vector<10000x128xf32>
    %mul3A_45 = arith.mulf %div3A_40, %mul3A_44 : vector<10000x128xf32>
    %get3A_46 = arith.constant 0 : index
    %get3A_47 = arith.constant 0 : index
    %get3A_48 = vector.load %arg6[%get3A_46, %get3A_47] : memref<1x128xf32, #tpu.memory_space<vmem>>, vector<1x128xf32>
    %add3A_49 = vector.broadcast %get3A_48 : vector<1x128xf32> to vector<10000x128xf32>
    %add3A_50 = arith.addf %mul3A_45, %add3A_49 : vector<10000x128xf32>
    %max3A = arith.constant 0.000000e+00 : f32
    %max3A_51 = vector.broadcast %max3A : f32 to vector<10000x128xf32>
    %max3A_52 = arith.maximumf %add3A_50, %max3A_51 : vector<10000x128xf32>
    %get3A_53 = arith.constant 0 : index
    %get3A_54 = arith.constant 0 : index
    %get3A_55 = vector.load %arg7[%get3A_53, %get3A_54] : memref<128x128xf32, #tpu.memory_space<vmem>>, vector<128x128xf32>
    %dot_general3A_56 = arith.constant dense<0.000000e+00> : vector<10000x128xf32>
    %dot_general3A_57 = tpu.matmul %max3A_52, %get3A_55, %dot_general3A_56 {dimension_numbers = #tpu.dot_dimension_numbers<[1], [0], [0], [1], [0, 0, 1, 1], [], []>, transpose_lhs_hint = false} : vector<10000x128xf32>, vector<128x128xf32>, vector<10000x128xf32> -> vector<10000x128xf32>
    %get3A_58 = arith.constant 0 : index
    %get3A_59 = arith.constant 0 : index
    %get3A_60 = vector.load %arg8[%get3A_58, %get3A_59] : memref<1x128xf32, #tpu.memory_space<vmem>>, vector<1x128xf32>
    %add3A_61 = vector.broadcast %get3A_60 : vector<1x128xf32> to vector<10000x128xf32>
    %add3A_62 = arith.addf %dot_general3A_57, %add3A_61 : vector<10000x128xf32>
    %swap3A = arith.constant 0 : index
    %swap3A_63 = arith.constant 0 : index
    %swap3A_64 = vector.load %arg9[%swap3A, %swap3A_63] : memref<10000x128xf32, #tpu.memory_space<vmem>>, vector<10000x128xf32>
    tpu.vector_store %arg9[%swap3A, %swap3A_63], %add3A_62 {strides = array<i32>} : memref<10000x128xf32, #tpu.memory_space<vmem>>, vector<10000x128xf32>,
    %iota3A = tpu.iota {dimensions = array<i32: 0>} : vector<64x10000xi32>
    %get3A_65 = arith.constant 0 : index
    %get3A_66 = arith.constant 0 : index
    %get3A_67 = vector.load %arg2[%get3A_65, %get3A_66] : memref<1x10000xi32, #tpu.memory_space<vmem>>, vector<1x10000xi32>
    %eq3A = vector.broadcast %get3A_67 : vector<1x10000xi32> to vector<64x10000xi32>
    %eq3A_68 = arith.cmpi eq, %iota3A, %eq3A : vector<64x10000xi32>
    %convert_element_type3A = arith.extui %eq3A_68 : vector<64x10000xi1> to vector<64x10000xi32>
    %convert_element_type3A_69 = arith.sitofp %convert_element_type3A : vector<64x10000xi32> to vector<64x10000xf32>
    %dot_general3A_70 = arith.constant dense<0.000000e+00> : vector<64x128xf32>
    %dot_general3A_71 = tpu.matmul %convert_element_type3A_69, %add3A_62, %dot_general3A_70 {dimension_numbers = #tpu.dot_dimension_numbers<[1], [0], [0], [1], [0, 0, 1, 1], [], []>, precision = #tpu.contract_precision<fp32>, transpose_lhs_hint = false} : vector<64x10000xf32>, vector<10000x128xf32>, vector<64x128xf32> -> vector<64x128xf32>
    %swap3A_72 = arith.constant 0 : index
    %swap3A_73 = arith.constant 0 : index
    %swap3A_74 = vector.load %arg10[%swap3A_72, %swap3A_73] : memref<64x128xf32, #tpu.memory_space<vmem>>, vector<64x128xf32>
    tpu.vector_store %arg10[%swap3A_72, %swap3A_73], %dot_general3A_71 {strides = array<i32>} : memref<64x128xf32, #tpu.memory_space<vmem>>, vector<64x128xf32>,
    return
  }
}

module attributes {stable_mosaic.version = 14 : i64} {
  func.func @_tc_final_body(%arg0: memref<64x384xf32, #tpu.memory_space<vmem>>, %arg1: memref<384x128xf32, #tpu.memory_space<vmem>>, %arg2: memref<1x128xf32, #tpu.memory_space<vmem>>, %arg3: memref<1x128xf32, #tpu.memory_space<vmem>>, %arg4: memref<1x128xf32, #tpu.memory_space<vmem>>, %arg5: memref<128x16xf32, #tpu.memory_space<vmem>>, %arg6: memref<1x16xf32, #tpu.memory_space<vmem>>, %arg7: memref<64x16xf32, #tpu.memory_space<vmem>>) attributes {dimension_semantics = [], scalar_prefetch = 0 : i64, scratch_operands = 0 : i64, tpu.core_type = #tpu.core_type<tc>} {
    %get3A = arith.constant 0 : index
    %get3A_0 = arith.constant 0 : index
    %get3A_1 = vector.load %arg0[%get3A, %get3A_0] : memref<64x384xf32, #tpu.memory_space<vmem>>, vector<64x384xf32>
    %get3A_2 = arith.constant 0 : index
    %get3A_3 = arith.constant 0 : index
    %get3A_4 = vector.load %arg1[%get3A_2, %get3A_3] : memref<384x128xf32, #tpu.memory_space<vmem>>, vector<384x128xf32>
    %dot_general3A = arith.constant dense<0.000000e+00> : vector<64x128xf32>
    %dot_general3A_5 = tpu.matmul %get3A_1, %get3A_4, %dot_general3A {dimension_numbers = #tpu.dot_dimension_numbers<[1], [0], [0], [1], [0, 0, 1, 1], [], []>, transpose_lhs_hint = false} : vector<64x384xf32>, vector<384x128xf32>, vector<64x128xf32> -> vector<64x128xf32>
    %get3A_6 = arith.constant 0 : index
    %get3A_7 = arith.constant 0 : index
    %get3A_8 = vector.load %arg2[%get3A_6, %get3A_7] : memref<1x128xf32, #tpu.memory_space<vmem>>, vector<1x128xf32>
    %add3A = vector.broadcast %get3A_8 : vector<1x128xf32> to vector<64x128xf32>
    %add3A_9 = arith.addf %dot_general3A_5, %add3A : vector<64x128xf32>
    %reduce_sum3A = arith.constant dense<0.000000e+00> : vector<128xf32>
    %reduce_sum3A_10 = vector.multi_reduction <add>, %add3A_9, %reduce_sum3A [0] : vector<64x128xf32> to vector<128xf32>
    %broadcast_in_dim3A = vector.shape_cast %reduce_sum3A_10 : vector<128xf32> to vector<1x128xf32>
    %div3A = arith.constant 6.400000e+01 : f32
    %div3A_11 = vector.broadcast %div3A : f32 to vector<1x128xf32>
    %div3A_12 = arith.divf %broadcast_in_dim3A, %div3A_11 : vector<1x128xf32>
    %sub3A = vector.broadcast %div3A_12 : vector<1x128xf32> to vector<64x128xf32>
    %sub3A_13 = arith.subf %add3A_9, %sub3A : vector<64x128xf32>
    %sub3A_14 = vector.broadcast %div3A_12 : vector<1x128xf32> to vector<64x128xf32>
    %sub3A_15 = arith.subf %add3A_9, %sub3A_14 : vector<64x128xf32>
    %mul3A = arith.mulf %sub3A_13, %sub3A_15 : vector<64x128xf32>
    %reduce_sum3A_16 = arith.constant dense<0.000000e+00> : vector<128xf32>
    %reduce_sum3A_17 = vector.multi_reduction <add>, %mul3A, %reduce_sum3A_16 [0] : vector<64x128xf32> to vector<128xf32>
    %broadcast_in_dim3A_18 = vector.shape_cast %reduce_sum3A_17 : vector<128xf32> to vector<1x128xf32>
    %div3A_19 = arith.constant 6.400000e+01 : f32
    %div3A_20 = vector.broadcast %div3A_19 : f32 to vector<1x128xf32>
    %div3A_21 = arith.divf %broadcast_in_dim3A_18, %div3A_20 : vector<1x128xf32>
    %sub3A_22 = vector.broadcast %div3A_12 : vector<1x128xf32> to vector<64x128xf32>
    %sub3A_23 = arith.subf %add3A_9, %sub3A_22 : vector<64x128xf32>
    %add3A_24 = arith.constant 9.99999974E-6 : f32
    %add3A_25 = vector.broadcast %add3A_24 : f32 to vector<1x128xf32>
    %add3A_26 = arith.addf %div3A_21, %add3A_25 : vector<1x128xf32>
    %sqrt3A = math.sqrt %add3A_26 : vector<1x128xf32>
    %div3A_27 = vector.broadcast %sqrt3A : vector<1x128xf32> to vector<64x128xf32>
    %div3A_28 = arith.divf %sub3A_23, %div3A_27 : vector<64x128xf32>
    %get3A_29 = arith.constant 0 : index
    %get3A_30 = arith.constant 0 : index
    %get3A_31 = vector.load %arg3[%get3A_29, %get3A_30] : memref<1x128xf32, #tpu.memory_space<vmem>>, vector<1x128xf32>
    %mul3A_32 = vector.broadcast %get3A_31 : vector<1x128xf32> to vector<64x128xf32>
    %mul3A_33 = arith.mulf %div3A_28, %mul3A_32 : vector<64x128xf32>
    %get3A_34 = arith.constant 0 : index
    %get3A_35 = arith.constant 0 : index
    %get3A_36 = vector.load %arg4[%get3A_34, %get3A_35] : memref<1x128xf32, #tpu.memory_space<vmem>>, vector<1x128xf32>
    %add3A_37 = vector.broadcast %get3A_36 : vector<1x128xf32> to vector<64x128xf32>
    %add3A_38 = arith.addf %mul3A_33, %add3A_37 : vector<64x128xf32>
    %max3A = arith.constant 0.000000e+00 : f32
    %max3A_39 = vector.broadcast %max3A : f32 to vector<64x128xf32>
    %max3A_40 = arith.maximumf %add3A_38, %max3A_39 : vector<64x128xf32>
    %get3A_41 = arith.constant 0 : index
    %get3A_42 = arith.constant 0 : index
    %get3A_43 = vector.load %arg5[%get3A_41, %get3A_42] : memref<128x16xf32, #tpu.memory_space<vmem>>, vector<128x16xf32>
    %dot_general3A_44 = arith.constant dense<0.000000e+00> : vector<64x16xf32>
    %dot_general3A_45 = tpu.matmul %max3A_40, %get3A_43, %dot_general3A_44 {dimension_numbers = #tpu.dot_dimension_numbers<[1], [0], [0], [1], [0, 0, 1, 1], [], []>, transpose_lhs_hint = false} : vector<64x128xf32>, vector<128x16xf32>, vector<64x16xf32> -> vector<64x16xf32>
    %get3A_46 = arith.constant 0 : index
    %get3A_47 = arith.constant 0 : index
    %get3A_48 = vector.load %arg6[%get3A_46, %get3A_47] : memref<1x16xf32, #tpu.memory_space<vmem>>, vector<1x16xf32>
    %add3A_49 = vector.broadcast %get3A_48 : vector<1x16xf32> to vector<64x16xf32>
    %add3A_50 = arith.addf %dot_general3A_45, %add3A_49 : vector<64x16xf32>
    %swap3A = arith.constant 0 : index
    %swap3A_51 = arith.constant 0 : index
    %swap3A_52 = vector.load %arg7[%swap3A, %swap3A_51] : memref<64x16xf32, #tpu.memory_space<vmem>>, vector<64x16xf32>
    tpu.vector_store %arg7[%swap3A, %swap3A_51], %add3A_50 {strides = array<i32>} : memref<64x16xf32, #tpu.memory_space<vmem>>, vector<64x16xf32>,
    return
  }
}

</mosaic_0001>

<sc_bundles>
// kernel: kernel.12.cloned.1.call-start
scs
__scs_entry_jumppad:
0x0: {  	(pc) =	sbr.rel $0x88, $3  }
0x1: {  	(tag) =	ssettag $0x0;
	lr =	simm.s32 $0x1  }
0x2: {  	[smem:$0x3F86] =	sst lr;
	_ =	strace $0xD0000000  }
0x3: {  	_ = 	snop  }
0x4: {  	_ = 	snop  }
0x5: {  	_ = 	snop  }
0x6: {  	_ = 	snop  }
0x7: {  	_ = 	snop  }
__scs_overlays_trampoline_lowered:
0x8: {  	[smem:$0x3F95] =	sst s0  }
0x9: {  	[smem:$0x3F96] =	sst s1  }
0xa: {  	[smem:$0x3F97] =	sst s2  }
0xb: {  	[smem:$0x3F98] =	sst s3  }
0xc: {  	[smem:$0x3F99] =	sst s4  }
0xd: {  	[smem:$0x3F9A] =	sst s5  }
0xe: {  	[smem:$0x3F9B] =	sst s6  }
0xf: {  	[smem:$0x3F9C] =	sst s7  }
0x10: {  	[smem:$0x3F9D] =	sst s8  }
0x11: {  	[smem:$0x3F9E] =	sst s9;
	s0 =	simm.s32 @!p0 $0x0  }
0x12: {  	s1 =	sld [smem:$0x3F84];
	s0 =	simm.s32 @p0 $0x1  }
0x13: {  	[smem:$0x3F9F] =	sst s0;
	s0 =	simm.s32 @!p1 $0x0  }
0x14: {  	s2 =	sld [smem:$0x3F83];
	s0 =	simm.s32 @p1 $0x1  }
0x15: {  	[smem:$0x3FA0] =	sst s0;
	s0 =	simm.s32 @!p2 $0x0  }
0x16: {  	s3 =	sld [smem:$0x3FDB];
	s0 =	simm.s32 @p2 $0x1  }
0x17: {  	s4 =	simm.s32 $0x1BF5;
	[smem:$0x3FA2] =	sst s0  }
0x18: {  	s0 =	sld [smem:$0x3F85];
	_ =	swait.ge [sflag:s4], $0x0  }
0x19: {  	s7 =	sld [smem:$0x3F86]  }
0x1a: {  	s8 =	sadd.s32 $0xFFFFE003, lr  }
0x1b: {  	s9 =	sadd.s32 $0xFFFFFEF7, lr;
	s5 =	simm.s32 $0xFFFFFFFF;
	p2 =	slt.u32 s8, $0xFFFFF086  }
0x1c: {  	p1 =	slt.u32 s9, $0xF7A;
	s5 =	simm.s32 @!p2 $0x0  }
0x1d: {  	s5 =	simm.s32 @p1 $0x1;
	p0 =	seq.s32 s7, s2  }
0x1e: {  	s7 =	smul.u32 @!p0 $0xF7A, s2;
	p2 =	seq.s32 @!p0 s5, $0x0  }
0x1f: {  	s9 =	smul.u32 $0xF7A, s1;
	s8 =	simm.s32 @!p0 $0x1BF5;
	p2 =	por !p2, p0  }
0x20: {  	[sflag:s8] =	ssyncset.s32 @!p0 $0xFFFFF086;
	s6 =	sadd.s32 @!p0 s3, s7;
	s7 =	simm.s32 @!p0 $0x108  }
0x21: {  	s3 =	sadd.s32 s3, s9;
	s6 =	sadd.s32 @!p0 $0x88, s6;
	s7 =	simm.s32 @p2 $0x1082  }
0x22: {  	[simem:s7], [sflag:s8] =	dma.local @!p0 [hbm:s6], $0xF7A  }
0x23: {  	s9 =	sor.u32 $0xD0000000, s2;
	s6 =	simm.s32 $0x108;
	_ =	swait.ge @!p0 [sflag:s8], $0x0  }
0x24: {  	s3 =	sadd.s32 $0x88, s3;
	s6 =	simm.s32 @!p1 $0x1082;
	[sflag:s4] =	ssyncset.s32 $0xFFFFF086  }
0x25: {  	[simem:s6], [sflag:s4] =	dma.local [hbm:s3], $0xF7A  }
0x26: {  	[smem:$0x3F86] =	sst s1;
	(tag) =	ssettag s2;
	_ =	strace s9  }
0x27: {  	s1 =	sld [smem:$0x3F96]  }
0x28: {  	s2 =	sld [smem:$0x3F97]  }
0x29: {  	s4 =	sld [smem:$0x3F99]  }
0x2a: {  	p0 =	seq.s32 s5, $0x0;
	s5 =	sld [smem:$0x3F9A]  }
0x2b: {  	s6 =	sld [smem:$0x3F9B]  }
0x2c: {  	s7 =	sld [smem:$0x3F9C]  }
0x2d: {  	s3 =	simm.s32 $0x108;
	s8 =	sld [smem:$0x3F9D]  }
0x2e: {  	s3 =	simm.s32 @!p0 $0x1082;
	s9 =	sld [smem:$0x3F9E]  }
0x2f: {  	lr =	sadd.s32 s0, s3;
	s0 =	sld [smem:$0x3F95]  }
0x30: {  	s3 =	sld [smem:$0x3F98]  }
0x31: {  	[smem:$0x3FA1] =	sst s10  }
0x32: {  	s10 =	sld [smem:$0x3F9F];
	_ =	sdelay $0x3  }
0x33: {  	p0 =	seq.s32 s10, $0x1;
	s10 =	sld [smem:$0x3FA1];
	_ =	sdelay $0x3  }
0x34: {  	[smem:$0x3FA1] =	sst s10  }
0x35: {  	s10 =	sld [smem:$0x3FA0];
	_ =	sdelay $0x3  }
0x36: {  	p1 =	seq.s32 s10, $0x1;
	s10 =	sld [smem:$0x3FA1];
	_ =	sdelay $0x3  }
0x37: {  	[smem:$0x3FA1] =	sst s10  }
0x38: {  	s10 =	sld [smem:$0x3FA2]  }
0x39: {  	_ = 	snop;
	(pc) =	sbr.ind lr, $3  }
0x3a: {  	_ = 	snop  }
0x3b: {  	_ = 	snop  }
0x3c: {  	p2 =	seq.s32 s10, $0x1;
	s10 =	sld [smem:$0x3FA1]  }
0x3d: {  	_ =	shalt  }
0x3e: {  	_ =	shalt  }
0x3f: {  	_ =	shalt  }
0x40: {  	_ =	shalt  }
0x41: {  	_ =	shalt  }
0x42: {  	_ =	shalt  }
0x43: {  	_ =	shalt  }
0x44: {  	_ =	shalt  }
0x45: {  	_ =	shalt  }
0x46: {  	_ =	shalt  }
0x47: {  	_ =	shalt  }
0x48: {  	_ =	shalt  }
0x49: {  	_ =	shalt  }
0x4a: {  	_ =	shalt  }
0x4b: {  	_ =	shalt  }
0x4c: {  	_ =	shalt  }
0x4d: {  	_ =	shalt  }
0x4e: {  	_ =	shalt  }
0x4f: {  	_ =	shalt  }
0x50: {  	_ =	shalt  }
0x51: {  	_ =	shalt  }
0x52: {  	_ =	shalt  }
0x53: {  	_ =	shalt  }
0x54: {  	_ =	shalt  }
0x55: {  	_ =	shalt  }
0x56: {  	_ =	shalt  }
0x57: {  	_ =	shalt  }
0x58: {  	_ =	shalt  }
0x59: {  	_ =	shalt  }
0x5a: {  	_ =	shalt  }
0x5b: {  	_ =	shalt  }
0x5c: {  	_ =	shalt  }
0x5d: {  	_ =	shalt  }
0x5e: {  	_ =	shalt  }
0x5f: {  	_ =	shalt  }
0x60: {  	_ =	shalt  }
0x61: {  	_ =	shalt  }
0x62: {  	_ =	shalt  }
0x63: {  	_ =	shalt  }
0x64: {  	_ =	shalt  }
0x65: {  	_ =	shalt  }
0x66: {  	_ =	shalt  }
0x67: {  	_ =	shalt  }
0x68: {  	_ =	shalt  }
0x69: {  	_ =	shalt  }
0x6a: {  	_ =	shalt  }
0x6b: {  	_ =	shalt  }
0x6c: {  	_ =	shalt  }
0x6d: {  	_ =	shalt  }
0x6e: {  	_ =	shalt  }
0x6f: {  	_ =	shalt  }
0x70: {  	_ =	shalt  }
0x71: {  	_ =	shalt  }
0x72: {  	_ =	shalt  }
0x73: {  	_ =	shalt  }
0x74: {  	_ =	shalt  }
0x75: {  	_ =	shalt  }
0x76: {  	_ =	shalt  }
0x77: {  	_ =	shalt  }
0x78: {  	_ =	shalt  }
0x79: {  	_ =	shalt  }
0x7a: {  	_ =	shalt  }
0x7b: {  	_ =	shalt  }
0x7c: {  	_ =	shalt  }
0x7d: {  	_ =	shalt  }
0x7e: {  	_ =	shalt  }
0x7f: {  	_ =	shalt  }
0x80: {  	_ =	shalt  }
0x81: {  	_ =	shalt  }
0x82: {  	_ =	shalt  }
0x83: {  	_ =	shalt  }
0x84: {  	_ =	shalt  }
0x85: {  	_ =	shalt  }
0x86: {  	_ =	shalt  }
0x87: {  	_ =	shalt  }
.Lfunc_end0:
.L_simem_size_0:
called_computation.1_lowered:
.L_overlay_start_0:
0x88: {  	s2 =	sld [smem:$0x3FD9]  }
0x89: {  	s3 =	sld [smem:$0x3FFE];
	_ =	sdelay $0x1  }
0x8a: {  	s1 =	srdreg.scid  }
0x8b: {  	s0 =	sand.u32 $0x1, s1  }
0x8c: {  	s16 =	sshll.u32 s0, $0xA;
	s2 =	sadd.s32 s3, s2  }
0x8d: {  	s2 =	sadd.s32 s2, s16  }
0x8e: {  	[smem:$0x3FAD] =	sst s2  }
0x8f: {  	_ = 	snop  }
0x90: {  	(tm) =	ssettm $0x1  }
0x91: {  	s17 =	sld [smem:$0x3FFB];
	_ =	sdelay $0x3  }
0x92: {  	_ =	strace s17  }
0x93: {  	s2 =	sld [smem:$0x3FFC];
	_ =	sdelay $0x3  }
0x94: {  	_ =	strace s2  }
0x95: {  	s2 =	sld [smem:$0x3FFD];
	_ =	sdelay $0x3  }
0x96: {  	_ =	strace s2  }
0x97: {  	_ =	strace $0x8FFFFFFF  }
0x98: {  	s18 =	sld [smem:$0x3FDB];
	_ =	sdelay $0x1  }
0x99: {  	s19 =	simm.s32 $_scs_section_size  }
0x9a: {  	s4 =	simm.s32 $_size__tile_overlayer_lowered;
	s5 =	simm.s32 $_tile_overlayer_lowered  }
0x9b: {  	s22 =	simm.s32 $0x1BFF;
	s21 =	sshll.u32 s5, $0x1;
	s2 =	sadd.s32 s19, s18  }
0x9c: {  	s6 =	simm.s32 $0x0;
	s20 =	sshll.u32 s4, $0x1;
	s4 =	sadd.s32 s21, s2  }
0x9d: {  	[timem:s6], [sflag:s22] =	dma.local [hbm:s4], s20  }
0x9e: {  	_ =	swait.ge [sflag:s22], s20  }
0x9f: {  	s3 =	ssub.s32 $0x0, s20;
	[sflag:s22] =	ssyncset.done $0x0  }
0xa0: {  	[sflag:s22] =	ssyncadd.s32 s3;
	_ =	sdelay $0x1  }
0xa1: {  	s23 =	simm.s32 $0x1B8B  }
0xa2: {  	_ =	swait.ge [sflag:s23], $0x1  }
0xa3: {  	[sflag:s23] =	ssyncset.done $0x0  }
0xa4: {  	s25 =	simm.s32 $0x1B8E;
	s24 =	sld [smem:$0x3FFE];
	[sflag:s23] =	ssyncadd.s32 $0xFFFFFFFF  }
0xa5: {  	s26 =	simm.s32 $execute0_lowered;
	[smem:$0x3FD2] =	sst s25  }
0xa6: {  	s4 =	sshll.u32 s26, $0x1;
	_ =	strace $0x80000049;
	[dreg:$0x1] =	wrdreg $0xFFFFFFFF  }
0xa7: {  	s28 =	simm.s32 $_size_execute0_lowered;
	s2 =	sadd.s32 s2, s4;
	[dreg:$0x0] =	wrdreg $0x0  }
0xa8: {  	s4 =	sshll.u32 s28, $0x1;
	[dreg:$0x2] =	wrdreg s2  }
0xa9: {  	[dreg:$0x3] =	wrdreg s4  }
0xaa: {  	[dreg:$0x4] =	wrdreg $0xC0  }
0xab: {  	_ =	task [dreg:s6], $0x5FFFF  }
0xac: {  	[dreg:$0x1] =	wrdreg $0xFFFFFFFF  }
0xad: {  	[dreg:$0x0] =	wrdreg $0x60  }
0xae: {  	[dreg:$0x2] =	wrdreg s24  }
0xaf: {  	[dreg:$0x3] =	wrdreg $0x87000  }
0xb0: {  	[dreg:$0x4] =	wrdreg $0x9  }
0xb1: {  	_ =	task.clear_ibuf [dreg:s6], $0x5FFFF;
	_ =	strace $0x90000049  }
0xb2: {  	s29 =	simm.s32 $0x9;
	_ =	strace $0x8000004B  }
0xb3: {  	_ =	swait.ge [sflag:s29], $0x1  }
0xb4: {  	[sflag:s29] =	ssyncadd.s32 $0xFFFFFFFF  }
0xb5: {  	_ =	strace $0x9000004B  }
0xb6: {  	_ =	sfence  }
0xb7: {  	s30 =	sld [smem:$0x0];
	_ =	sdelay $0x2  }
0xb8: {  	s31 =	sshll.u32 s1, $0xD;
	s1 =	sshrl.u32 s1, $0x2  }
0xb9: {  	s3 =	sand.u32 $0x4000, s31;
	s1 =	sadd.s32 s1, s30  }
0xba: {  	s0 =	sor.u32 s3, s0;
	s1 =	sshll.u32 s1, $0x11  }
0xbb: {  	s0 =	sor.u32 s1, s0  }
0xbc: {  	s0 =	sadd.s32 $0x8F2B, s0  }
0xbd: {  	[sflag:s0] =	ssyncadd.remote.s32 $0x1  }
0xbe: {  	_ =	sfence.sel $0xFFFF  }
0xbf: {  	[dreg:$0x0] =	wrdreg $0xFFFFFFFF;
	(pc) =	sbr.abs _section_cstart, $3  }
0xc0: {  	[dreg:$0x1] =	wrdreg $0xFFFFFFFF  }
0xc1: {  	_ =	task.clear_ibuf [dreg:s6], $0x2FFFF;
	_ =	strace $0x9FFFFFFF  }
0xc2: {  	(tm) =	ssettm $0x7FFFFFFF  }
0xc3: {  	_ =	shalt  }
tec
execute0_lowered:
.L_overlay_start_1:
0x0: {  	(tag) =	ssettag $0x1  }
0x1: {  	s0 =	rddreg [dreg:$0x0]  }
0x2: {  	s2 =	rddreg [dreg:$0x1]  }
0x3: {  	s3 =	simm.s32 $0x0;
	s12 =	stileid.u32;
	s1 =	srdreg.scid  }
0x4: {  	s28 =	simm.s32 $0x80;
	s31 =	simm.s32 $0x100;
	s29 =	simm.s32 $0x1  }
0x5: {  	s30 =	simm.s32 $0x3;
	[smem:$0x7FF] =	sst s3;
	s7 =	smul.u32 $0x14000, s12  }
0x6: {  	s1 =	sand.u32 $0x1, s1;
	s4 =	sadd.s32 $0x41C00, s0;
	s5 =	sadd.s32 $0x6000, s0  }
0x7: {  	s6 =	sadd.s32 $0xFE00, s0;
	s14 =	smul.u32 $0x50000, s12;
	s10 =	sshll.u32 s12, $0x1  }
0x8: {  	s16 =	sshll.u32 s12, $0x6;
	s19 =	smul.u32 $0x4E60, s12;
	_ =	strace $0x8000004A  }
0x9: {  	s8 =	smul.u32 $0x140000, s1;
	s15 =	ssub.s32 $0x2, s1;
	s10 =	sor.u32 s1, s10  }
0xa: {  	s1 =	smul.u32 $0x2730, s1;
	s9 =	sshrl.u32 s7, $0x3;
	s11 =	sshrl.u32 s15, $0x1  }
0xb: {  	s10 =	smul.u32 $0x2730, s10;
	s9 =	sadd.s32 s9, s0;
	s7 =	sadd.s32 s7, s8  }
0xc: {  	s8 =	sshrl.u32 s14, $0x2;
	s1 =	sadd.s32 s1, s19;
	s7 =	sshrl.u32 s7, $0x3  }
0xd: {  	s8 =	sadd.s32 s8, s2;
	s9 =	sadd.s32 $0x19C00, s9;
	s17 =	sshrl.u32 s10, $0x3  }
0xe: {  	s10 =	sadd.s32 $0x58, s10;
	s23 =	sadd.s32 $0x1B8, s1;
	s24 =	sadd.s32 $0x160, s1  }
0xf: {  	s26 =	sadd.s32 $0x108, s1;
	s1 =	simm.s32 $0x5B00;
	[dreg:$0x3] =	wrdreg s8  }
0x10: {  	s0 =	sadd.s32 s7, s0;
	s7 =	ssub.s32 s15, s11;
	[dreg:$0x4] =	wrdreg s9  }
0x11: {  	s9 =	sor.u32 $0x1C04, s16;
	s18 =	sadd.s32 s5, s17;
	[dreg:$0xd] =	wrdreg s26  }
0x12: {  	s20 =	sadd.s32 s6, s17;
	s10 =	sshrl.u32 s10, $0x3;
	[dreg:$0x5] =	wrdreg s18  }
0x13: {  	s8 =	sadd.s32 $0x16, s17;
	[dreg:$0x6] =	wrdreg s20;
	s21 =	sadd.s32 s5, s10  }
0x14: {  	s25 =	sshrl.u32 s24, $0x3;
	s10 =	sadd.s32 s6, s10;
	[dreg:$0x7] =	wrdreg s21  }
0x15: {  	s24 =	simm.s32 $0x180;
	s22 =	sadd.s32 s5, s8;
	[dreg:$0x8] =	wrdreg s10  }
0x16: {  	s26 =	simm.s32 $0x300;
	s8 =	sadd.s32 s6, s8;
	[dreg:$0x9] =	wrdreg s22  }
.Ltmp0:
0x17: {  	s0 =	sadd.s32 $0x68E00, s0;
	[dreg:$0xa] =	wrdreg s8;
	(pc) =	sbr.rel .LBB2_1-.Ltmp0, $4  }
0x18: {  	s7 =	smax.u32 s7, $0x1;
	s20 =	sadd.s32 s25, s6;
	[dreg:$0xb] =	wrdreg s0  }
0x19: {  	[dreg:$0xc] =	wrdreg s7;
	s0 =	sshrl.u32 s23, $0x3;
	s21 =	sadd.s32 s25, s5  }
0x1a: {  	s23 =	simm.s32 $0x4;
	s25 =	simm.s32 $0x58;
	s7 =	simm.s32 $0x0  }
0x1b: {  	s18 =	sadd.s32 s0, s6;
	s19 =	sadd.s32 s0, s5;
	s0 =	simm.s32 $0x280  }
.LBB2_4:
0x1c: {  	[bflag:$0x0] =	sbarrier.arrive $0xFFFF  }
0x1d: {  	s10 =	rddreg [dreg:$0xb]  }
0x1e: {  	[hbm:s10], [sflag:s9] =	dma.local [spmem:s8], $0x2800  }
0x1f: {  	_ =	swait.ge [sflag:s23], $0x2800  }
0x20: {  	s7 =	sadd.s32 $0x1, s7;
	s22 =	rddreg [dreg:$0xc]  }
0x21: {  	p0 =	sne.s32 s7, s22  }
.Ltmp1:
0x22: {  	_ = 	snop;
	(pc) =	sbr.rel @!p0 .LBB2_5-.Ltmp1, $3  }
0x23: {  	_ =	sdelay $0x1  }
0x24: {  	[sflag:s23] =	ssyncset.done $0x0  }
0x25: {  	[sflag:s23] =	ssyncadd.s32 $0xFFFFD800  }
.LBB2_1:
0x26: {  	s8 =	rddreg [dreg:$0x3]  }
0x27: {  	s10 =	rddreg [dreg:$0x4];
	s8 =	sshrl.u32 s8, $0x3  }
0x28: {  	[spmem:s8], [sflag:s9] =	dma.local [hbm:s10], $0x2800  }
0x29: {  	_ =	swait.ge [sflag:s23], $0x2800  }
0x2a: {  	[sflag:s23] =	ssyncset.done $0x0  }
0x2b: {  	[sflag:s23] =	ssyncadd.s32 $0xFFFFD800  }
0x2c: {  	[bflag:$0x0] =	sbarrier.arrive $0xFFFF  }
0x2d: {  	s12 =	rddreg [dreg:$0x5]  }
0x2e: {  	[tilespmem:s3], [sflag:$0x4] =	stream.linear.gather [hbm4b:s12+s3], $0x58, $0x38;
	[tilespmem:$0x1C700] =	vst v63  }
0x2f: {  	_ =	swait.ge [sflag:s23], $0x58  }
0x30: {  	[sflag:s23] =	ssyncset.done $0x0  }
0x31: {  	s13 =	rddreg [dreg:$0x6];
	[sflag:s23] =	ssyncadd.s32 $0xFFFFFFA8  }
0x32: {  	[tilespmem:s24], [sflag:$0x4] =	stream.linear.gather [hbm4b:s13+s3], $0x58, $0x38;
	[tilespmem:$0x1C700] =	vst v63  }
0x33: {  	_ =	swait.ge [sflag:s23], $0x58  }
0x34: {  	[sflag:s23] =	ssyncset.done $0x0  }
0x35: {  	[sflag:s23] =	ssyncadd.s32 $0xFFFFFFA8  }
0x36: {  	[tilespmem:s26], [sflag:$0x1] =	stream.indirect.gather [hbm4b:s4+s25], $0x80, s3, s25, $0xb8;
	[tilespmem:$0x1C700] =	vst v63  }
0x37: {  	s14 =	rddreg [dreg:$0x7]  }
0x38: {  	[tilespmem:s28], [sflag:$0x4] =	stream.linear.gather [hbm4b:s14+s3], $0x58, $0x38;
	[tilespmem:$0x1C700] =	vst v63  }
0x39: {  	_ =	swait.ge [sflag:s23], $0x58  }
0x3a: {  	[sflag:s23] =	ssyncset.done $0x0  }
0x3b: {  	s11 =	simm.s32 $0x200;
	s15 =	rddreg [dreg:$0x8];
	[sflag:s23] =	ssyncadd.s32 $0xFFFFFFA8  }
0x3c: {  	[tilespmem:s11], [sflag:$0x4] =	stream.linear.gather [hbm4b:s15+s3], $0x58, $0x38;
	[tilespmem:$0x1C700] =	vst v63  }
0x3d: {  	_ =	swait.ge [sflag:s23], $0x58  }
0x3e: {  	[sflag:s23] =	ssyncset.done $0x0  }
0x3f: {  	s16 =	simm.s32 $0x2F00;
	[sflag:s23] =	ssyncadd.s32 $0xFFFFFFA8  }
0x40: {  	[tilespmem:s16], [sflag:$0x2] =	stream.indirect.gather [hbm4b:s4+s25], $0x80, s28, s25, $0xb8;
	[tilespmem:$0x1C700] =	vst v63  }
0x41: {  	s17 =	rddreg [dreg:$0x9]  }
0x42: {  	[tilespmem:s31], [sflag:$0x4] =	stream.linear.gather [hbm4b:s17+s3], $0x58, $0x38;
	[tilespmem:$0x1C700] =	vst v63  }
0x43: {  	_ =	swait.ge [sflag:s23], $0x58  }
0x44: {  	[sflag:s23] =	ssyncset.done $0x0  }
0x45: {  	s22 =	rddreg [dreg:$0xa];
	[sflag:s23] =	ssyncadd.s32 $0xFFFFFFA8  }
0x46: {  	[tilespmem:s0], [sflag:$0x4] =	stream.linear.gather [hbm4b:s22+s3], $0x58, $0x38;
	[tilespmem:$0x1C700] =	vst v63  }
0x47: {  	_ =	swait.ge [sflag:s23], $0x58  }
0x48: {  	[sflag:s23] =	ssyncset.done $0x0  }
0x49: {  	s11 =	simm.s32 $0x0;
	s22 =	rddreg [dreg:$0xd];
	[sflag:s23] =	ssyncadd.s32 $0xFFFFFFA8  }
0x4a: {  	[tilespmem:s1], [sflag:$0x3] =	stream.indirect.gather [hbm4b:s4+s25], $0x80, s31, s25, $0xb8;
	[tilespmem:$0x1C700] =	vst v63  }
.LBB2_2:
0x4b: {  	_ =	swait.ge [sflag:s29], $0x2C00  }
0x4c: {  	[sflag:s29] =	ssyncset.done $0x0  }
0x4d: {  	[sflag:s29] =	ssyncadd.s32 $0xFFFFD400  }
0x4e: {  	[spmem:s2] =	stream.indirect.scatter.add.f32 [tilespmem:s26], [sflag:$0x4], $0x80, s24, s25, $0xb8;
	[tilespmem:$0x1C700] =	vst v63  }
0x4f: {  	_ =	swait.ge [sflag:s23], $0x2C00  }
0x50: {  	p0 =	seq.s32 s11, $0x4C5;
	[sflag:s23] =	ssyncset.done $0x0  }
0x51: {  	s12 =	simm.s32 @p0 $0x2;
	[sflag:s23] =	ssyncadd.s32 $0xFFFFD400  }
0x52: {  	_ =	swait.ge @p0 [sflag:s12], $0x2C00  }
0x53: {  	s13 =	simm.s32 @p0 $0x200;
	[sflag:s12] =	ssyncset.done @p0 $0x0  }
0x54: {  	s14 =	simm.s32 @p0 $0x2F00;
	[sflag:s12] =	ssyncadd.s32 @p0 $0xFFFFD400;
	s12 =	simm.s32 @p0 $0x58  }
0x55: {  	[spmem:s2] =	stream.indirect.scatter.add.f32 @p0 [tilespmem:s14], [sflag:$0x4], $0x80, s13, s12, $0xb8;
	[tilespmem:$0x1C700] =	vst v63  }
0x56: {  	s12 =	simm.s32 @p0 $0x4  }
0x57: {  	_ =	swait.ge @p0 [sflag:s12], $0x2C00  }
0x58: {  	s13 =	sshrl.u32 @!p0 s22, $0x3;
	[sflag:s12] =	ssyncset.done @p0 $0x0  }
0x59: {  	s14 =	simm.s32 @!p0 $0x0;
	[sflag:s12] =	ssyncadd.s32 @p0 $0xFFFFD400;
	s12 =	sadd.s32 @!p0 s5, s13  }
0x5a: {  	[tilespmem:s14], [sflag:$0x4] =	stream.linear.gather @!p0 [hbm4b:s12+s14], $0x58, $0x38;
	[tilespmem:$0x1C700] =	vst v63  }
0x5b: {  	s12 =	simm.s32 @!p0 $0x4  }
0x5c: {  	_ =	swait.ge @!p0 [sflag:s12], $0x58  }
0x5d: {  	[sflag:s12] =	ssyncset.done @!p0 $0x0  }
0x5e: {  	s15 =	simm.s32 @!p0 $0x180;
	s13 =	sadd.s32 @!p0 s6, s13;
	[sflag:s12] =	ssyncadd.s32 @!p0 $0xFFFFFFA8  }
0x5f: {  	[tilespmem:s15], [sflag:$0x4] =	stream.linear.gather @!p0 [hbm4b:s13+s14], $0x58, $0x38;
	[tilespmem:$0x1C700] =	vst v63  }
0x60: {  	_ =	swait.ge @!p0 [sflag:s12], $0x58  }
0x61: {  	[sflag:s12] =	ssyncset.done @!p0 $0x0  }
0x62: {  	s13 =	simm.s32 @!p0 $0x58;
	s15 =	simm.s32 @!p0 $0x300;
	[sflag:s12] =	ssyncadd.s32 @!p0 $0xFFFFFFA8  }
0x63: {  	[tilespmem:s15], [sflag:$0x1] =	stream.indirect.gather @!p0 [hbm4b:s4+s13], $0x80, s14, s13, $0xb8;
	[tilespmem:$0x1C700] =	vst v63  }
0x64: {  	s15 =	simm.s32 @!p0 $0x2  }
0x65: {  	_ =	swait.ge @!p0 [sflag:s15], $0x2C00  }
0x66: {  	[sflag:s15] =	ssyncset.done @!p0 $0x0  }
0x67: {  	s16 =	simm.s32 @!p0 $0x2F00;
	[sflag:s15] =	ssyncadd.s32 @!p0 $0xFFFFD400;
	s15 =	simm.s32 @!p0 $0x200  }
0x68: {  	[spmem:s2] =	stream.indirect.scatter.add.f32 @!p0 [tilespmem:s16], [sflag:$0x4], $0x80, s15, s13, $0xb8;
	[tilespmem:$0x1C700] =	vst v63  }
0x69: {  	_ =	swait.ge @!p0 [sflag:s12], $0x2C00  }
0x6a: {  	[sflag:s12] =	ssyncset.done @!p0 $0x0  }
0x6b: {  	s17 =	sadd.s32 @!p0 s11, s21;
	s10 =	simm.s32 @!p0 $0x80;
	[sflag:s12] =	ssyncadd.s32 @!p0 $0xFFFFD400  }
0x6c: {  	[tilespmem:s10], [sflag:$0x4] =	stream.linear.gather @!p0 [hbm4b:s17+s14], $0x58, $0x38;
	[tilespmem:$0x1C700] =	vst v63  }
0x6d: {  	_ =	swait.ge @!p0 [sflag:s12], $0x58  }
0x6e: {  	[sflag:s12] =	ssyncset.done @!p0 $0x0  }
0x6f: {  	s17 =	sadd.s32 @!p0 s11, s20;
	[sflag:s12] =	ssyncadd.s32 @!p0 $0xFFFFFFA8  }
0x70: {  	[tilespmem:s15], [sflag:$0x4] =	stream.linear.gather @!p0 [hbm4b:s17+s14], $0x58, $0x38;
	[tilespmem:$0x1C700] =	vst v63  }
0x71: {  	_ =	swait.ge @!p0 [sflag:s12], $0x58  }
0x72: {  	[sflag:s12] =	ssyncset.done @!p0 $0x0  }
0x73: {  	[sflag:s12] =	ssyncadd.s32 @!p0 $0xFFFFFFA8  }
0x74: {  	[tilespmem:s16], [sflag:$0x2] =	stream.indirect.gather @!p0 [hbm4b:s4+s13], $0x80, s10, s13, $0xb8;
	[tilespmem:$0x1C700] =	vst v63  }
0x75: {  	_ =	swait.ge [sflag:s30], $0x2C00  }
0x76: {  	[sflag:s30] =	ssyncset.done $0x0  }
.Ltmp2:
0x77: {  	[sflag:s30] =	ssyncadd.s32 $0xFFFFD400;
	(pc) =	sbr.rel @p0 .LBB2_4-.Ltmp2, $4  }
0x78: {  	[spmem:s2] =	stream.indirect.scatter.add.f32 [tilespmem:s1], [sflag:$0x4], $0x80, s0, s25, $0xb8;
	[tilespmem:$0x1C700] =	vst v63  }
0x79: {  	_ =	swait.ge [sflag:s23], $0x2C00  }
0x7a: {  	[sflag:s23] =	ssyncset.done $0x0  }
0x7b: {  	[sflag:s23] =	ssyncadd.s32 $0xFFFFD400  }
0x7c: {  	s10 =	sadd.s32 s11, s19  }
0x7d: {  	[tilespmem:s31], [sflag:$0x4] =	stream.linear.gather [hbm4b:s10+s3], $0x58, $0x38;
	[tilespmem:$0x1C700] =	vst v63  }
0x7e: {  	_ =	swait.ge [sflag:s23], $0x58  }
0x7f: {  	[sflag:s23] =	ssyncset.done $0x0  }
0x80: {  	s17 =	sadd.s32 s11, s18;
	[sflag:s23] =	ssyncadd.s32 $0xFFFFFFA8  }
0x81: {  	[tilespmem:s0], [sflag:$0x4] =	stream.linear.gather [hbm4b:s17+s3], $0x58, $0x38;
	[tilespmem:$0x1C700] =	vst v63  }
.Ltmp3:
0x82: {  	_ = 	snop;
	(pc) =	sbr.rel .LBB2_2-.Ltmp3, $4  }
0x83: {  	_ =	swait.ge [sflag:s23], $0x58  }
0x84: {  	[sflag:s23] =	ssyncset.done $0x0  }
0x85: {  	s11 =	sadd.s32 $0x21, s11;
	s22 =	sadd.s32 $0x108, s22;
	[sflag:s23] =	ssyncadd.s32 $0xFFFFFFA8  }
0x86: {  	[tilespmem:s1], [sflag:$0x3] =	stream.indirect.gather [hbm4b:s4+s25], $0x80, s31, s25, $0xb8;
	[tilespmem:$0x1C700] =	vst v63  }
.LBB2_5:
0x87: {  	_ =	sfence.sel $0x180000  }
0x88: {  	[bflag:$0x0] =	sbarrier.arrive $0xFFFF  }
0x89: {  	_ =	strace $0x9000004A  }
0x8a: {  	s0 =	stileid.u32;
	[bflag:$0x2] =	sbarrier.arrive $0xFFFF  }
0x8b: {  	p0 =	sne.s32 s0, $0x0;
	s0 =	rddreg [dreg:$0x2]  }
0x8c: {  	s0 =	sadd.s32 @!p0 $0x100000, s0  }
0x8d: {  	[sflag:s0] =	ssyncadd.tile.s32 @!p0 $0x1;
	_ =	shalt  }
.Lfunc_end2:
_tile_overlayer_lowered:
.L_overlay_start_2:
0x8e: {  	(tag) =	ssettag $0x2  }
0x8f: {  	s0 =	rddreg [dreg:$0x0];
	s2 =	stileid.u32  }
0x90: {  	s1 =	rddreg [dreg:$0x1];
	p0 =	sne.s32 s2, $0x0  }
0x91: {  	s3 =	rddreg [dreg:$0x2];
	[bflag:$0x3] =	sbarrier.arrive $0xFFFF;
	s2 =	simm.s32 @!p0 $0x1C04  }
0x92: {  	[timem:s3], [sflag:s2] =	dma.local @!p0 [hbm:s0], s1  }
0x93: {  	s0 =	simm.s32 @!p0 $0x4  }
0x94: {  	_ =	swait.ge @!p0 [sflag:s0], s1  }
0x95: {  	s1 =	ssub.s32 @!p0 $0x0, s1;
	[sflag:s0] =	ssyncset.done @!p0 $0x0  }
0x96: {  	[sflag:s0] =	ssyncadd.s32 @!p0 s1  }
0x97: {  	[bflag:$0x3] =	sbarrier.arrive $0xFFFF  }
0x98: {  	_ =	shalt  }

// kernel: kernel.15.cloned.1.call-start
scs
__scs_entry_jumppad:
0x0: {  	(pc) =	sbr.rel $0x88, $3  }
0x1: {  	(tag) =	ssettag $0x0;
	lr =	simm.s32 $0x1  }
0x2: {  	[smem:$0x3F86] =	sst lr;
	_ =	strace $0xD0000000  }
0x3: {  	_ = 	snop  }
0x4: {  	_ = 	snop  }
0x5: {  	_ = 	snop  }
0x6: {  	_ = 	snop  }
0x7: {  	_ = 	snop  }
__scs_overlays_trampoline_lowered:
0x8: {  	[smem:$0x3F95] =	sst s0  }
0x9: {  	[smem:$0x3F96] =	sst s1  }
0xa: {  	[smem:$0x3F97] =	sst s2  }
0xb: {  	[smem:$0x3F98] =	sst s3  }
0xc: {  	[smem:$0x3F99] =	sst s4  }
0xd: {  	[smem:$0x3F9A] =	sst s5  }
0xe: {  	[smem:$0x3F9B] =	sst s6  }
0xf: {  	[smem:$0x3F9C] =	sst s7  }
0x10: {  	[smem:$0x3F9D] =	sst s8  }
0x11: {  	[smem:$0x3F9E] =	sst s9;
	s0 =	simm.s32 @!p0 $0x0  }
0x12: {  	s1 =	sld [smem:$0x3F84];
	s0 =	simm.s32 @p0 $0x1  }
0x13: {  	[smem:$0x3F9F] =	sst s0;
	s0 =	simm.s32 @!p1 $0x0  }
0x14: {  	s2 =	sld [smem:$0x3F83];
	s0 =	simm.s32 @p1 $0x1  }
0x15: {  	[smem:$0x3FA0] =	sst s0;
	s0 =	simm.s32 @!p2 $0x0  }
0x16: {  	s3 =	sld [smem:$0x3FDB];
	s0 =	simm.s32 @p2 $0x1  }
0x17: {  	s4 =	simm.s32 $0x1BF5;
	[smem:$0x3FA2] =	sst s0  }
0x18: {  	s0 =	sld [smem:$0x3F85];
	_ =	swait.ge [sflag:s4], $0x0  }
0x19: {  	s7 =	sld [smem:$0x3F86]  }
0x1a: {  	s8 =	sadd.s32 $0xFFFFE003, lr  }
0x1b: {  	s9 =	sadd.s32 $0xFFFFFEF7, lr;
	s5 =	simm.s32 $0xFFFFFFFF;
	p2 =	slt.u32 s8, $0xFFFFF086  }
0x1c: {  	p1 =	slt.u32 s9, $0xF7A;
	s5 =	simm.s32 @!p2 $0x0  }
0x1d: {  	s5 =	simm.s32 @p1 $0x1;
	p0 =	seq.s32 s7, s2  }
0x1e: {  	s7 =	smul.u32 @!p0 $0xF7A, s2;
	p2 =	seq.s32 @!p0 s5, $0x0  }
0x1f: {  	s9 =	smul.u32 $0xF7A, s1;
	s8 =	simm.s32 @!p0 $0x1BF5;
	p2 =	por !p2, p0  }
0x20: {  	[sflag:s8] =	ssyncset.s32 @!p0 $0xFFFFF086;
	s6 =	sadd.s32 @!p0 s3, s7;
	s7 =	simm.s32 @!p0 $0x108  }
0x21: {  	s3 =	sadd.s32 s3, s9;
	s6 =	sadd.s32 @!p0 $0x88, s6;
	s7 =	simm.s32 @p2 $0x1082  }
0x22: {  	[simem:s7], [sflag:s8] =	dma.local @!p0 [hbm:s6], $0xF7A  }
0x23: {  	s9 =	sor.u32 $0xD0000000, s2;
	s6 =	simm.s32 $0x108;
	_ =	swait.ge @!p0 [sflag:s8], $0x0  }
0x24: {  	s3 =	sadd.s32 $0x88, s3;
	s6 =	simm.s32 @!p1 $0x1082;
	[sflag:s4] =	ssyncset.s32 $0xFFFFF086  }
0x25: {  	[simem:s6], [sflag:s4] =	dma.local [hbm:s3], $0xF7A  }
0x26: {  	[smem:$0x3F86] =	sst s1;
	(tag) =	ssettag s2;
	_ =	strace s9  }
0x27: {  	s1 =	sld [smem:$0x3F96]  }
0x28: {  	s2 =	sld [smem:$0x3F97]  }
0x29: {  	s4 =	sld [smem:$0x3F99]  }
0x2a: {  	p0 =	seq.s32 s5, $0x0;
	s5 =	sld [smem:$0x3F9A]  }
0x2b: {  	s6 =	sld [smem:$0x3F9B]  }
0x2c: {  	s7 =	sld [smem:$0x3F9C]  }
0x2d: {  	s3 =	simm.s32 $0x108;
	s8 =	sld [smem:$0x3F9D]  }
0x2e: {  	s3 =	simm.s32 @!p0 $0x1082;
	s9 =	sld [smem:$0x3F9E]  }
0x2f: {  	lr =	sadd.s32 s0, s3;
	s0 =	sld [smem:$0x3F95]  }
0x30: {  	s3 =	sld [smem:$0x3F98]  }
0x31: {  	[smem:$0x3FA1] =	sst s10  }
0x32: {  	s10 =	sld [smem:$0x3F9F];
	_ =	sdelay $0x3  }
0x33: {  	p0 =	seq.s32 s10, $0x1;
	s10 =	sld [smem:$0x3FA1];
	_ =	sdelay $0x3  }
0x34: {  	[smem:$0x3FA1] =	sst s10  }
0x35: {  	s10 =	sld [smem:$0x3FA0];
	_ =	sdelay $0x3  }
0x36: {  	p1 =	seq.s32 s10, $0x1;
	s10 =	sld [smem:$0x3FA1];
	_ =	sdelay $0x3  }
0x37: {  	[smem:$0x3FA1] =	sst s10  }
0x38: {  	s10 =	sld [smem:$0x3FA2]  }
0x39: {  	_ = 	snop;
	(pc) =	sbr.ind lr, $3  }
0x3a: {  	_ = 	snop  }
0x3b: {  	_ = 	snop  }
0x3c: {  	p2 =	seq.s32 s10, $0x1;
	s10 =	sld [smem:$0x3FA1]  }
0x3d: {  	_ =	shalt  }
0x3e: {  	_ =	shalt  }
0x3f: {  	_ =	shalt  }
0x40: {  	_ =	shalt  }
0x41: {  	_ =	shalt  }
0x42: {  	_ =	shalt  }
0x43: {  	_ =	shalt  }
0x44: {  	_ =	shalt  }
0x45: {  	_ =	shalt  }
0x46: {  	_ =	shalt  }
0x47: {  	_ =	shalt  }
0x48: {  	_ =	shalt  }
0x49: {  	_ =	shalt  }
0x4a: {  	_ =	shalt  }
0x4b: {  	_ =	shalt  }
0x4c: {  	_ =	shalt  }
0x4d: {  	_ =	shalt  }
0x4e: {  	_ =	shalt  }
0x4f: {  	_ =	shalt  }
0x50: {  	_ =	shalt  }
0x51: {  	_ =	shalt  }
0x52: {  	_ =	shalt  }
0x53: {  	_ =	shalt  }
0x54: {  	_ =	shalt  }
0x55: {  	_ =	shalt  }
0x56: {  	_ =	shalt  }
0x57: {  	_ =	shalt  }
0x58: {  	_ =	shalt  }
0x59: {  	_ =	shalt  }
0x5a: {  	_ =	shalt  }
0x5b: {  	_ =	shalt  }
0x5c: {  	_ =	shalt  }
0x5d: {  	_ =	shalt  }
0x5e: {  	_ =	shalt  }
0x5f: {  	_ =	shalt  }
0x60: {  	_ =	shalt  }
0x61: {  	_ =	shalt  }
0x62: {  	_ =	shalt  }
0x63: {  	_ =	shalt  }
0x64: {  	_ =	shalt  }
0x65: {  	_ =	shalt  }
0x66: {  	_ =	shalt  }
0x67: {  	_ =	shalt  }
0x68: {  	_ =	shalt  }
0x69: {  	_ =	shalt  }
0x6a: {  	_ =	shalt  }
0x6b: {  	_ =	shalt  }
0x6c: {  	_ =	shalt  }
0x6d: {  	_ =	shalt  }
0x6e: {  	_ =	shalt  }
0x6f: {  	_ =	shalt  }
0x70: {  	_ =	shalt  }
0x71: {  	_ =	shalt  }
0x72: {  	_ =	shalt  }
0x73: {  	_ =	shalt  }
0x74: {  	_ =	shalt  }
0x75: {  	_ =	shalt  }
0x76: {  	_ =	shalt  }
0x77: {  	_ =	shalt  }
0x78: {  	_ =	shalt  }
0x79: {  	_ =	shalt  }
0x7a: {  	_ =	shalt  }
0x7b: {  	_ =	shalt  }
0x7c: {  	_ =	shalt  }
0x7d: {  	_ =	shalt  }
0x7e: {  	_ =	shalt  }
0x7f: {  	_ =	shalt  }
0x80: {  	_ =	shalt  }
0x81: {  	_ =	shalt  }
0x82: {  	_ =	shalt  }
0x83: {  	_ =	shalt  }
0x84: {  	_ =	shalt  }
0x85: {  	_ =	shalt  }
0x86: {  	_ =	shalt  }
0x87: {  	_ =	shalt  }
.Lfunc_end0:
.L_simem_size_0:
called_computation.2_lowered:
.L_overlay_start_0:
0x88: {  	s2 =	sld [smem:$0x3FD9]  }
0x89: {  	s3 =	sld [smem:$0x3FFE];
	_ =	sdelay $0x1  }
0x8a: {  	s1 =	srdreg.scid  }
0x8b: {  	s0 =	sand.u32 $0x1, s1  }
0x8c: {  	s16 =	sshll.u32 s0, $0xA;
	s2 =	sadd.s32 s3, s2  }
0x8d: {  	s2 =	sadd.s32 s2, s16  }
0x8e: {  	[smem:$0x3FAD] =	sst s2  }
0x8f: {  	_ = 	snop  }
0x90: {  	(tm) =	ssettm $0x1  }
0x91: {  	s17 =	sld [smem:$0x3FFB];
	_ =	sdelay $0x3  }
0x92: {  	_ =	strace s17  }
0x93: {  	s2 =	sld [smem:$0x3FFC];
	_ =	sdelay $0x3  }
0x94: {  	_ =	strace s2  }
0x95: {  	s2 =	sld [smem:$0x3FFD];
	_ =	sdelay $0x3  }
0x96: {  	_ =	strace s2  }
0x97: {  	_ =	strace $0x8FFFFFFF  }
0x98: {  	s18 =	sld [smem:$0x3FDB];
	_ =	sdelay $0x1  }
0x99: {  	s19 =	simm.s32 $_scs_section_size  }
0x9a: {  	s4 =	simm.s32 $_size__tile_overlayer_lowered;
	s5 =	simm.s32 $_tile_overlayer_lowered  }
0x9b: {  	s22 =	simm.s32 $0x1BFF;
	s21 =	sshll.u32 s5, $0x1;
	s2 =	sadd.s32 s19, s18  }
0x9c: {  	s6 =	simm.s32 $0x0;
	s20 =	sshll.u32 s4, $0x1;
	s4 =	sadd.s32 s21, s2  }
0x9d: {  	[timem:s6], [sflag:s22] =	dma.local [hbm:s4], s20  }
0x9e: {  	_ =	swait.ge [sflag:s22], s20  }
0x9f: {  	s3 =	ssub.s32 $0x0, s20;
	[sflag:s22] =	ssyncset.done $0x0  }
0xa0: {  	[sflag:s22] =	ssyncadd.s32 s3;
	_ =	sdelay $0x1  }
0xa1: {  	s23 =	simm.s32 $0x1B8B  }
0xa2: {  	_ =	swait.ge [sflag:s23], $0x1  }
0xa3: {  	[sflag:s23] =	ssyncset.done $0x0  }
0xa4: {  	s25 =	simm.s32 $0x1B8E;
	s24 =	sld [smem:$0x3FFE];
	[sflag:s23] =	ssyncadd.s32 $0xFFFFFFFF  }
0xa5: {  	s26 =	simm.s32 $execute0_lowered;
	[smem:$0x3FD2] =	sst s25  }
0xa6: {  	s4 =	sshll.u32 s26, $0x1;
	_ =	strace $0x8000004C;
	[dreg:$0x1] =	wrdreg $0xFFFFFFFF  }
0xa7: {  	s28 =	simm.s32 $_size_execute0_lowered;
	s2 =	sadd.s32 s2, s4;
	[dreg:$0x0] =	wrdreg $0x0  }
0xa8: {  	s4 =	sshll.u32 s28, $0x1;
	[dreg:$0x2] =	wrdreg s2  }
0xa9: {  	[dreg:$0x3] =	wrdreg s4  }
0xaa: {  	[dreg:$0x4] =	wrdreg $0xC0  }
0xab: {  	_ =	task [dreg:s6], $0x5FFFF  }
0xac: {  	[dreg:$0x1] =	wrdreg $0xFFFFFFFF  }
0xad: {  	[dreg:$0x0] =	wrdreg $0x60  }
0xae: {  	[dreg:$0x2] =	wrdreg s24  }
0xaf: {  	[dreg:$0x3] =	wrdreg $0x87000  }
0xb0: {  	[dreg:$0x4] =	wrdreg $0x9  }
0xb1: {  	_ =	task.clear_ibuf [dreg:s6], $0x5FFFF;
	_ =	strace $0x9000004C  }
0xb2: {  	s29 =	simm.s32 $0x9;
	_ =	strace $0x8000004E  }
0xb3: {  	_ =	swait.ge [sflag:s29], $0x1  }
0xb4: {  	[sflag:s29] =	ssyncadd.s32 $0xFFFFFFFF  }
0xb5: {  	_ =	strace $0x9000004E  }
0xb6: {  	_ =	sfence  }
0xb7: {  	s30 =	sld [smem:$0x0];
	_ =	sdelay $0x2  }
0xb8: {  	s31 =	sshll.u32 s1, $0xD;
	s1 =	sshrl.u32 s1, $0x2  }
0xb9: {  	s3 =	sand.u32 $0x4000, s31;
	s1 =	sadd.s32 s1, s30  }
0xba: {  	s0 =	sor.u32 s3, s0;
	s1 =	sshll.u32 s1, $0x11  }
0xbb: {  	s0 =	sor.u32 s1, s0  }
0xbc: {  	s0 =	sadd.s32 $0x8F2B, s0  }
0xbd: {  	[sflag:s0] =	ssyncadd.remote.s32 $0x1  }
0xbe: {  	_ =	sfence.sel $0xFFFF  }
0xbf: {  	[dreg:$0x0] =	wrdreg $0xFFFFFFFF;
	(pc) =	sbr.abs _section_cstart, $3  }
0xc0: {  	[dreg:$0x1] =	wrdreg $0xFFFFFFFF  }
0xc1: {  	_ =	task.clear_ibuf [dreg:s6], $0x2FFFF;
	_ =	strace $0x9FFFFFFF  }
0xc2: {  	(tm) =	ssettm $0x7FFFFFFF  }
0xc3: {  	_ =	shalt  }
tec
execute0_lowered:
.L_overlay_start_1:
0x0: {  	(tag) =	ssettag $0x1  }
0x1: {  	s0 =	rddreg [dreg:$0x0]  }
0x2: {  	s2 =	rddreg [dreg:$0x1]  }
0x3: {  	s3 =	simm.s32 $0x0;
	s12 =	stileid.u32;
	s1 =	srdreg.scid  }
0x4: {  	s28 =	simm.s32 $0x80;
	s31 =	simm.s32 $0x100;
	s29 =	simm.s32 $0x1  }
0x5: {  	s30 =	simm.s32 $0x3;
	[smem:$0x7FF] =	sst s3;
	s7 =	smul.u32 $0x14000, s12  }
0x6: {  	s1 =	sand.u32 $0x1, s1;
	s4 =	sadd.s32 $0x41C00, s0;
	s5 =	sadd.s32 $0x6000, s0  }
0x7: {  	s6 =	sadd.s32 $0xFE00, s0;
	s14 =	smul.u32 $0x50000, s12;
	s10 =	sshll.u32 s12, $0x1  }
0x8: {  	s16 =	sshll.u32 s12, $0x6;
	s19 =	smul.u32 $0x4E60, s12;
	_ =	strace $0x8000004D  }
0x9: {  	s8 =	smul.u32 $0x140000, s1;
	s15 =	ssub.s32 $0x2, s1;
	s10 =	sor.u32 s1, s10  }
0xa: {  	s1 =	smul.u32 $0x2730, s1;
	s9 =	sshrl.u32 s7, $0x3;
	s11 =	sshrl.u32 s15, $0x1  }
0xb: {  	s10 =	smul.u32 $0x2730, s10;
	s9 =	sadd.s32 s9, s0;
	s7 =	sadd.s32 s7, s8  }
0xc: {  	s8 =	sshrl.u32 s14, $0x2;
	s1 =	sadd.s32 s1, s19;
	s7 =	sshrl.u32 s7, $0x3  }
0xd: {  	s8 =	sadd.s32 s8, s2;
	s9 =	sadd.s32 $0x19C00, s9;
	s17 =	sshrl.u32 s10, $0x3  }
0xe: {  	s10 =	sadd.s32 $0x58, s10;
	s23 =	sadd.s32 $0x1B8, s1;
	s24 =	sadd.s32 $0x160, s1  }
0xf: {  	s26 =	sadd.s32 $0x108, s1;
	s1 =	simm.s32 $0x5B00;
	[dreg:$0x3] =	wrdreg s8  }
0x10: {  	s0 =	sadd.s32 s7, s0;
	s7 =	ssub.s32 s15, s11;
	[dreg:$0x4] =	wrdreg s9  }
0x11: {  	s9 =	sor.u32 $0x1C04, s16;
	s18 =	sadd.s32 s5, s17;
	[dreg:$0xd] =	wrdreg s26  }
0x12: {  	s20 =	sadd.s32 s6, s17;
	s10 =	sshrl.u32 s10, $0x3;
	[dreg:$0x5] =	wrdreg s18  }
0x13: {  	s8 =	sadd.s32 $0x16, s17;
	[dreg:$0x6] =	wrdreg s20;
	s21 =	sadd.s32 s5, s10  }
0x14: {  	s25 =	sshrl.u32 s24, $0x3;
	s10 =	sadd.s32 s6, s10;
	[dreg:$0x7] =	wrdreg s21  }
0x15: {  	s24 =	simm.s32 $0x180;
	s22 =	sadd.s32 s5, s8;
	[dreg:$0x8] =	wrdreg s10  }
0x16: {  	s26 =	simm.s32 $0x300;
	s8 =	sadd.s32 s6, s8;
	[dreg:$0x9] =	wrdreg s22  }
.Ltmp0:
0x17: {  	s0 =	sadd.s32 $0x68E00, s0;
	[dreg:$0xa] =	wrdreg s8;
	(pc) =	sbr.rel .LBB2_1-.Ltmp0, $4  }
0x18: {  	s7 =	smax.u32 s7, $0x1;
	s20 =	sadd.s32 s25, s6;
	[dreg:$0xb] =	wrdreg s0  }
0x19: {  	[dreg:$0xc] =	wrdreg s7;
	s0 =	sshrl.u32 s23, $0x3;
	s21 =	sadd.s32 s25, s5  }
0x1a: {  	s23 =	simm.s32 $0x4;
	s25 =	simm.s32 $0x58;
	s7 =	simm.s32 $0x0  }
0x1b: {  	s18 =	sadd.s32 s0, s6;
	s19 =	sadd.s32 s0, s5;
	s0 =	simm.s32 $0x280  }
.LBB2_4:
0x1c: {  	[bflag:$0x0] =	sbarrier.arrive $0xFFFF  }
0x1d: {  	s10 =	rddreg [dreg:$0xb]  }
0x1e: {  	[hbm:s10], [sflag:s9] =	dma.local [spmem:s8], $0x2800  }
0x1f: {  	_ =	swait.ge [sflag:s23], $0x2800  }
0x20: {  	s7 =	sadd.s32 $0x1, s7;
	s22 =	rddreg [dreg:$0xc]  }
0x21: {  	p0 =	sne.s32 s7, s22  }
.Ltmp1:
0x22: {  	_ = 	snop;
	(pc) =	sbr.rel @!p0 .LBB2_5-.Ltmp1, $3  }
0x23: {  	_ =	sdelay $0x1  }
0x24: {  	[sflag:s23] =	ssyncset.done $0x0  }
0x25: {  	[sflag:s23] =	ssyncadd.s32 $0xFFFFD800  }
.LBB2_1:
0x26: {  	s8 =	rddreg [dreg:$0x3]  }
0x27: {  	s10 =	rddreg [dreg:$0x4];
	s8 =	sshrl.u32 s8, $0x3  }
0x28: {  	[spmem:s8], [sflag:s9] =	dma.local [hbm:s10], $0x2800  }
0x29: {  	_ =	swait.ge [sflag:s23], $0x2800  }
0x2a: {  	[sflag:s23] =	ssyncset.done $0x0  }
0x2b: {  	[sflag:s23] =	ssyncadd.s32 $0xFFFFD800  }
0x2c: {  	[bflag:$0x0] =	sbarrier.arrive $0xFFFF  }
0x2d: {  	s12 =	rddreg [dreg:$0x5]  }
0x2e: {  	[tilespmem:s3], [sflag:$0x4] =	stream.linear.gather [hbm4b:s12+s3], $0x58, $0x38;
	[tilespmem:$0x1C700] =	vst v63  }
0x2f: {  	_ =	swait.ge [sflag:s23], $0x58  }
0x30: {  	[sflag:s23] =	ssyncset.done $0x0  }
0x31: {  	s13 =	rddreg [dreg:$0x6];
	[sflag:s23] =	ssyncadd.s32 $0xFFFFFFA8  }
0x32: {  	[tilespmem:s24], [sflag:$0x4] =	stream.linear.gather [hbm4b:s13+s3], $0x58, $0x38;
	[tilespmem:$0x1C700] =	vst v63  }
0x33: {  	_ =	swait.ge [sflag:s23], $0x58  }
0x34: {  	[sflag:s23] =	ssyncset.done $0x0  }
0x35: {  	[sflag:s23] =	ssyncadd.s32 $0xFFFFFFA8  }
0x36: {  	[tilespmem:s26], [sflag:$0x1] =	stream.indirect.gather [hbm4b:s4+s25], $0x80, s3, s25, $0xb8;
	[tilespmem:$0x1C700] =	vst v63  }
0x37: {  	s14 =	rddreg [dreg:$0x7]  }
0x38: {  	[tilespmem:s28], [sflag:$0x4] =	stream.linear.gather [hbm4b:s14+s3], $0x58, $0x38;
	[tilespmem:$0x1C700] =	vst v63  }
0x39: {  	_ =	swait.ge [sflag:s23], $0x58  }
0x3a: {  	[sflag:s23] =	ssyncset.done $0x0  }
0x3b: {  	s11 =	simm.s32 $0x200;
	s15 =	rddreg [dreg:$0x8];
	[sflag:s23] =	ssyncadd.s32 $0xFFFFFFA8  }
0x3c: {  	[tilespmem:s11], [sflag:$0x4] =	stream.linear.gather [hbm4b:s15+s3], $0x58, $0x38;
	[tilespmem:$0x1C700] =	vst v63  }
0x3d: {  	_ =	swait.ge [sflag:s23], $0x58  }
0x3e: {  	[sflag:s23] =	ssyncset.done $0x0  }
0x3f: {  	s16 =	simm.s32 $0x2F00;
	[sflag:s23] =	ssyncadd.s32 $0xFFFFFFA8  }
0x40: {  	[tilespmem:s16], [sflag:$0x2] =	stream.indirect.gather [hbm4b:s4+s25], $0x80, s28, s25, $0xb8;
	[tilespmem:$0x1C700] =	vst v63  }
0x41: {  	s17 =	rddreg [dreg:$0x9]  }
0x42: {  	[tilespmem:s31], [sflag:$0x4] =	stream.linear.gather [hbm4b:s17+s3], $0x58, $0x38;
	[tilespmem:$0x1C700] =	vst v63  }
0x43: {  	_ =	swait.ge [sflag:s23], $0x58  }
0x44: {  	[sflag:s23] =	ssyncset.done $0x0  }
0x45: {  	s22 =	rddreg [dreg:$0xa];
	[sflag:s23] =	ssyncadd.s32 $0xFFFFFFA8  }
0x46: {  	[tilespmem:s0], [sflag:$0x4] =	stream.linear.gather [hbm4b:s22+s3], $0x58, $0x38;
	[tilespmem:$0x1C700] =	vst v63  }
0x47: {  	_ =	swait.ge [sflag:s23], $0x58  }
0x48: {  	[sflag:s23] =	ssyncset.done $0x0  }
0x49: {  	s11 =	simm.s32 $0x0;
	s22 =	rddreg [dreg:$0xd];
	[sflag:s23] =	ssyncadd.s32 $0xFFFFFFA8  }
0x4a: {  	[tilespmem:s1], [sflag:$0x3] =	stream.indirect.gather [hbm4b:s4+s25], $0x80, s31, s25, $0xb8;
	[tilespmem:$0x1C700] =	vst v63  }
.LBB2_2:
0x4b: {  	_ =	swait.ge [sflag:s29], $0x2C00  }
0x4c: {  	[sflag:s29] =	ssyncset.done $0x0  }
0x4d: {  	[sflag:s29] =	ssyncadd.s32 $0xFFFFD400  }
0x4e: {  	[spmem:s2] =	stream.indirect.scatter.add.f32 [tilespmem:s26], [sflag:$0x4], $0x80, s24, s25, $0xb8;
	[tilespmem:$0x1C700] =	vst v63  }
0x4f: {  	_ =	swait.ge [sflag:s23], $0x2C00  }
0x50: {  	p0 =	seq.s32 s11, $0x4C5;
	[sflag:s23] =	ssyncset.done $0x0  }
0x51: {  	s12 =	simm.s32 @p0 $0x2;
	[sflag:s23] =	ssyncadd.s32 $0xFFFFD400  }
0x52: {  	_ =	swait.ge @p0 [sflag:s12], $0x2C00  }
0x53: {  	s13 =	simm.s32 @p0 $0x200;
	[sflag:s12] =	ssyncset.done @p0 $0x0  }
0x54: {  	s14 =	simm.s32 @p0 $0x2F00;
	[sflag:s12] =	ssyncadd.s32 @p0 $0xFFFFD400;
	s12 =	simm.s32 @p0 $0x58  }
0x55: {  	[spmem:s2] =	stream.indirect.scatter.add.f32 @p0 [tilespmem:s14], [sflag:$0x4], $0x80, s13, s12, $0xb8;
	[tilespmem:$0x1C700] =	vst v63  }
0x56: {  	s12 =	simm.s32 @p0 $0x4  }
0x57: {  	_ =	swait.ge @p0 [sflag:s12], $0x2C00  }
0x58: {  	s13 =	sshrl.u32 @!p0 s22, $0x3;
	[sflag:s12] =	ssyncset.done @p0 $0x0  }
0x59: {  	s14 =	simm.s32 @!p0 $0x0;
	[sflag:s12] =	ssyncadd.s32 @p0 $0xFFFFD400;
	s12 =	sadd.s32 @!p0 s5, s13  }
0x5a: {  	[tilespmem:s14], [sflag:$0x4] =	stream.linear.gather @!p0 [hbm4b:s12+s14], $0x58, $0x38;
	[tilespmem:$0x1C700] =	vst v63  }
0x5b: {  	s12 =	simm.s32 @!p0 $0x4  }
0x5c: {  	_ =	swait.ge @!p0 [sflag:s12], $0x58  }
0x5d: {  	[sflag:s12] =	ssyncset.done @!p0 $0x0  }
0x5e: {  	s15 =	simm.s32 @!p0 $0x180;
	s13 =	sadd.s32 @!p0 s6, s13;
	[sflag:s12] =	ssyncadd.s32 @!p0 $0xFFFFFFA8  }
0x5f: {  	[tilespmem:s15], [sflag:$0x4] =	stream.linear.gather @!p0 [hbm4b:s13+s14], $0x58, $0x38;
	[tilespmem:$0x1C700] =	vst v63  }
0x60: {  	_ =	swait.ge @!p0 [sflag:s12], $0x58  }
0x61: {  	[sflag:s12] =	ssyncset.done @!p0 $0x0  }
0x62: {  	s13 =	simm.s32 @!p0 $0x58;
	s15 =	simm.s32 @!p0 $0x300;
	[sflag:s12] =	ssyncadd.s32 @!p0 $0xFFFFFFA8  }
0x63: {  	[tilespmem:s15], [sflag:$0x1] =	stream.indirect.gather @!p0 [hbm4b:s4+s13], $0x80, s14, s13, $0xb8;
	[tilespmem:$0x1C700] =	vst v63  }
0x64: {  	s15 =	simm.s32 @!p0 $0x2  }
0x65: {  	_ =	swait.ge @!p0 [sflag:s15], $0x2C00  }
0x66: {  	[sflag:s15] =	ssyncset.done @!p0 $0x0  }
0x67: {  	s16 =	simm.s32 @!p0 $0x2F00;
	[sflag:s15] =	ssyncadd.s32 @!p0 $0xFFFFD400;
	s15 =	simm.s32 @!p0 $0x200  }
0x68: {  	[spmem:s2] =	stream.indirect.scatter.add.f32 @!p0 [tilespmem:s16], [sflag:$0x4], $0x80, s15, s13, $0xb8;
	[tilespmem:$0x1C700] =	vst v63  }
0x69: {  	_ =	swait.ge @!p0 [sflag:s12], $0x2C00  }
0x6a: {  	[sflag:s12] =	ssyncset.done @!p0 $0x0  }
0x6b: {  	s17 =	sadd.s32 @!p0 s11, s21;
	s10 =	simm.s32 @!p0 $0x80;
	[sflag:s12] =	ssyncadd.s32 @!p0 $0xFFFFD400  }
0x6c: {  	[tilespmem:s10], [sflag:$0x4] =	stream.linear.gather @!p0 [hbm4b:s17+s14], $0x58, $0x38;
	[tilespmem:$0x1C700] =	vst v63  }
0x6d: {  	_ =	swait.ge @!p0 [sflag:s12], $0x58  }
0x6e: {  	[sflag:s12] =	ssyncset.done @!p0 $0x0  }
0x6f: {  	s17 =	sadd.s32 @!p0 s11, s20;
	[sflag:s12] =	ssyncadd.s32 @!p0 $0xFFFFFFA8  }
0x70: {  	[tilespmem:s15], [sflag:$0x4] =	stream.linear.gather @!p0 [hbm4b:s17+s14], $0x58, $0x38;
	[tilespmem:$0x1C700] =	vst v63  }
0x71: {  	_ =	swait.ge @!p0 [sflag:s12], $0x58  }
0x72: {  	[sflag:s12] =	ssyncset.done @!p0 $0x0  }
0x73: {  	[sflag:s12] =	ssyncadd.s32 @!p0 $0xFFFFFFA8  }
0x74: {  	[tilespmem:s16], [sflag:$0x2] =	stream.indirect.gather @!p0 [hbm4b:s4+s13], $0x80, s10, s13, $0xb8;
	[tilespmem:$0x1C700] =	vst v63  }
0x75: {  	_ =	swait.ge [sflag:s30], $0x2C00  }
0x76: {  	[sflag:s30] =	ssyncset.done $0x0  }
.Ltmp2:
0x77: {  	[sflag:s30] =	ssyncadd.s32 $0xFFFFD400;
	(pc) =	sbr.rel @p0 .LBB2_4-.Ltmp2, $4  }
0x78: {  	[spmem:s2] =	stream.indirect.scatter.add.f32 [tilespmem:s1], [sflag:$0x4], $0x80, s0, s25, $0xb8;
	[tilespmem:$0x1C700] =	vst v63  }
0x79: {  	_ =	swait.ge [sflag:s23], $0x2C00  }
0x7a: {  	[sflag:s23] =	ssyncset.done $0x0  }
0x7b: {  	[sflag:s23] =	ssyncadd.s32 $0xFFFFD400  }
0x7c: {  	s10 =	sadd.s32 s11, s19  }
0x7d: {  	[tilespmem:s31], [sflag:$0x4] =	stream.linear.gather [hbm4b:s10+s3], $0x58, $0x38;
	[tilespmem:$0x1C700] =	vst v63  }
0x7e: {  	_ =	swait.ge [sflag:s23], $0x58  }
0x7f: {  	[sflag:s23] =	ssyncset.done $0x0  }
0x80: {  	s17 =	sadd.s32 s11, s18;
	[sflag:s23] =	ssyncadd.s32 $0xFFFFFFA8  }
0x81: {  	[tilespmem:s0], [sflag:$0x4] =	stream.linear.gather [hbm4b:s17+s3], $0x58, $0x38;
	[tilespmem:$0x1C700] =	vst v63  }
.Ltmp3:
0x82: {  	_ = 	snop;
	(pc) =	sbr.rel .LBB2_2-.Ltmp3, $4  }
0x83: {  	_ =	swait.ge [sflag:s23], $0x58  }
0x84: {  	[sflag:s23] =	ssyncset.done $0x0  }
0x85: {  	s11 =	sadd.s32 $0x21, s11;
	s22 =	sadd.s32 $0x108, s22;
	[sflag:s23] =	ssyncadd.s32 $0xFFFFFFA8  }
0x86: {  	[tilespmem:s1], [sflag:$0x3] =	stream.indirect.gather [hbm4b:s4+s25], $0x80, s31, s25, $0xb8;
	[tilespmem:$0x1C700] =	vst v63  }
.LBB2_5:
0x87: {  	_ =	sfence.sel $0x180000  }
0x88: {  	[bflag:$0x0] =	sbarrier.arrive $0xFFFF  }
0x89: {  	_ =	strace $0x9000004D  }
0x8a: {  	s0 =	stileid.u32;
	[bflag:$0x2] =	sbarrier.arrive $0xFFFF  }
0x8b: {  	p0 =	sne.s32 s0, $0x0;
	s0 =	rddreg [dreg:$0x2]  }
0x8c: {  	s0 =	sadd.s32 @!p0 $0x100000, s0  }
0x8d: {  	[sflag:s0] =	ssyncadd.tile.s32 @!p0 $0x1;
	_ =	shalt  }
.Lfunc_end2:
_tile_overlayer_lowered:
.L_overlay_start_2:
0x8e: {  	(tag) =	ssettag $0x2  }
0x8f: {  	s0 =	rddreg [dreg:$0x0];
	s2 =	stileid.u32  }
0x90: {  	s1 =	rddreg [dreg:$0x1];
	p0 =	sne.s32 s2, $0x0  }
0x91: {  	s3 =	rddreg [dreg:$0x2];
	[bflag:$0x3] =	sbarrier.arrive $0xFFFF;
	s2 =	simm.s32 @!p0 $0x1C04  }
0x92: {  	[timem:s3], [sflag:s2] =	dma.local @!p0 [hbm:s0], s1  }
0x93: {  	s0 =	simm.s32 @!p0 $0x4  }
0x94: {  	_ =	swait.ge @!p0 [sflag:s0], s1  }
0x95: {  	s1 =	ssub.s32 @!p0 $0x0, s1;
	[sflag:s0] =	ssyncset.done @!p0 $0x0  }
0x96: {  	[sflag:s0] =	ssyncadd.s32 @!p0 s1  }
0x97: {  	[bflag:$0x3] =	sbarrier.arrive $0xFFFF  }
0x98: {  	_ =	shalt  }

// kernel: kernel.9.cloned.1.call-start
scs
__scs_entry_jumppad:
0x0: {  	(pc) =	sbr.rel $0x88, $3  }
0x1: {  	(tag) =	ssettag $0x0;
	lr =	simm.s32 $0x1  }
0x2: {  	[smem:$0x3F86] =	sst lr;
	_ =	strace $0xD0000000  }
0x3: {  	_ = 	snop  }
0x4: {  	_ = 	snop  }
0x5: {  	_ = 	snop  }
0x6: {  	_ = 	snop  }
0x7: {  	_ = 	snop  }
__scs_overlays_trampoline_lowered:
0x8: {  	[smem:$0x3F95] =	sst s0  }
0x9: {  	[smem:$0x3F96] =	sst s1  }
0xa: {  	[smem:$0x3F97] =	sst s2  }
0xb: {  	[smem:$0x3F98] =	sst s3  }
0xc: {  	[smem:$0x3F99] =	sst s4  }
0xd: {  	[smem:$0x3F9A] =	sst s5  }
0xe: {  	[smem:$0x3F9B] =	sst s6  }
0xf: {  	[smem:$0x3F9C] =	sst s7  }
0x10: {  	[smem:$0x3F9D] =	sst s8  }
0x11: {  	[smem:$0x3F9E] =	sst s9;
	s0 =	simm.s32 @!p0 $0x0  }
0x12: {  	s1 =	sld [smem:$0x3F84];
	s0 =	simm.s32 @p0 $0x1  }
0x13: {  	[smem:$0x3F9F] =	sst s0;
	s0 =	simm.s32 @!p1 $0x0  }
0x14: {  	s2 =	sld [smem:$0x3F83];
	s0 =	simm.s32 @p1 $0x1  }
0x15: {  	[smem:$0x3FA0] =	sst s0;
	s0 =	simm.s32 @!p2 $0x0  }
0x16: {  	s3 =	sld [smem:$0x3FDB];
	s0 =	simm.s32 @p2 $0x1  }
0x17: {  	s4 =	simm.s32 $0x1BF5;
	[smem:$0x3FA2] =	sst s0  }
0x18: {  	s0 =	sld [smem:$0x3F85];
	_ =	swait.ge [sflag:s4], $0x0  }
0x19: {  	s7 =	sld [smem:$0x3F86]  }
0x1a: {  	s8 =	sadd.s32 $0xFFFFE003, lr  }
0x1b: {  	s9 =	sadd.s32 $0xFFFFFEF7, lr;
	s5 =	simm.s32 $0xFFFFFFFF;
	p2 =	slt.u32 s8, $0xFFFFF086  }
0x1c: {  	p1 =	slt.u32 s9, $0xF7A;
	s5 =	simm.s32 @!p2 $0x0  }
0x1d: {  	s5 =	simm.s32 @p1 $0x1;
	p0 =	seq.s32 s7, s2  }
0x1e: {  	s7 =	smul.u32 @!p0 $0xF7A, s2;
	p2 =	seq.s32 @!p0 s5, $0x0  }
0x1f: {  	s9 =	smul.u32 $0xF7A, s1;
	s8 =	simm.s32 @!p0 $0x1BF5;
	p2 =	por !p2, p0  }
0x20: {  	[sflag:s8] =	ssyncset.s32 @!p0 $0xFFFFF086;
	s6 =	sadd.s32 @!p0 s3, s7;
	s7 =	simm.s32 @!p0 $0x108  }
0x21: {  	s3 =	sadd.s32 s3, s9;
	s6 =	sadd.s32 @!p0 $0x88, s6;
	s7 =	simm.s32 @p2 $0x1082  }
0x22: {  	[simem:s7], [sflag:s8] =	dma.local @!p0 [hbm:s6], $0xF7A  }
0x23: {  	s9 =	sor.u32 $0xD0000000, s2;
	s6 =	simm.s32 $0x108;
	_ =	swait.ge @!p0 [sflag:s8], $0x0  }
0x24: {  	s3 =	sadd.s32 $0x88, s3;
	s6 =	simm.s32 @!p1 $0x1082;
	[sflag:s4] =	ssyncset.s32 $0xFFFFF086  }
0x25: {  	[simem:s6], [sflag:s4] =	dma.local [hbm:s3], $0xF7A  }
0x26: {  	[smem:$0x3F86] =	sst s1;
	(tag) =	ssettag s2;
	_ =	strace s9  }
0x27: {  	s1 =	sld [smem:$0x3F96]  }
0x28: {  	s2 =	sld [smem:$0x3F97]  }
0x29: {  	s4 =	sld [smem:$0x3F99]  }
0x2a: {  	p0 =	seq.s32 s5, $0x0;
	s5 =	sld [smem:$0x3F9A]  }
0x2b: {  	s6 =	sld [smem:$0x3F9B]  }
0x2c: {  	s7 =	sld [smem:$0x3F9C]  }
0x2d: {  	s3 =	simm.s32 $0x108;
	s8 =	sld [smem:$0x3F9D]  }
0x2e: {  	s3 =	simm.s32 @!p0 $0x1082;
	s9 =	sld [smem:$0x3F9E]  }
0x2f: {  	lr =	sadd.s32 s0, s3;
	s0 =	sld [smem:$0x3F95]  }
0x30: {  	s3 =	sld [smem:$0x3F98]  }
0x31: {  	[smem:$0x3FA1] =	sst s10  }
0x32: {  	s10 =	sld [smem:$0x3F9F];
	_ =	sdelay $0x3  }
0x33: {  	p0 =	seq.s32 s10, $0x1;
	s10 =	sld [smem:$0x3FA1];
	_ =	sdelay $0x3  }
0x34: {  	[smem:$0x3FA1] =	sst s10  }
0x35: {  	s10 =	sld [smem:$0x3FA0];
	_ =	sdelay $0x3  }
0x36: {  	p1 =	seq.s32 s10, $0x1;
	s10 =	sld [smem:$0x3FA1];
	_ =	sdelay $0x3  }
0x37: {  	[smem:$0x3FA1] =	sst s10  }
0x38: {  	s10 =	sld [smem:$0x3FA2]  }
0x39: {  	_ = 	snop;
	(pc) =	sbr.ind lr, $3  }
0x3a: {  	_ = 	snop  }
0x3b: {  	_ = 	snop  }
0x3c: {  	p2 =	seq.s32 s10, $0x1;
	s10 =	sld [smem:$0x3FA1]  }
0x3d: {  	_ =	shalt  }
0x3e: {  	_ =	shalt  }
0x3f: {  	_ =	shalt  }
0x40: {  	_ =	shalt  }
0x41: {  	_ =	shalt  }
0x42: {  	_ =	shalt  }
0x43: {  	_ =	shalt  }
0x44: {  	_ =	shalt  }
0x45: {  	_ =	shalt  }
0x46: {  	_ =	shalt  }
0x47: {  	_ =	shalt  }
0x48: {  	_ =	shalt  }
0x49: {  	_ =	shalt  }
0x4a: {  	_ =	shalt  }
0x4b: {  	_ =	shalt  }
0x4c: {  	_ =	shalt  }
0x4d: {  	_ =	shalt  }
0x4e: {  	_ =	shalt  }
0x4f: {  	_ =	shalt  }
0x50: {  	_ =	shalt  }
0x51: {  	_ =	shalt  }
0x52: {  	_ =	shalt  }
0x53: {  	_ =	shalt  }
0x54: {  	_ =	shalt  }
0x55: {  	_ =	shalt  }
0x56: {  	_ =	shalt  }
0x57: {  	_ =	shalt  }
0x58: {  	_ =	shalt  }
0x59: {  	_ =	shalt  }
0x5a: {  	_ =	shalt  }
0x5b: {  	_ =	shalt  }
0x5c: {  	_ =	shalt  }
0x5d: {  	_ =	shalt  }
0x5e: {  	_ =	shalt  }
0x5f: {  	_ =	shalt  }
0x60: {  	_ =	shalt  }
0x61: {  	_ =	shalt  }
0x62: {  	_ =	shalt  }
0x63: {  	_ =	shalt  }
0x64: {  	_ =	shalt  }
0x65: {  	_ =	shalt  }
0x66: {  	_ =	shalt  }
0x67: {  	_ =	shalt  }
0x68: {  	_ =	shalt  }
0x69: {  	_ =	shalt  }
0x6a: {  	_ =	shalt  }
0x6b: {  	_ =	shalt  }
0x6c: {  	_ =	shalt  }
0x6d: {  	_ =	shalt  }
0x6e: {  	_ =	shalt  }
0x6f: {  	_ =	shalt  }
0x70: {  	_ =	shalt  }
0x71: {  	_ =	shalt  }
0x72: {  	_ =	shalt  }
0x73: {  	_ =	shalt  }
0x74: {  	_ =	shalt  }
0x75: {  	_ =	shalt  }
0x76: {  	_ =	shalt  }
0x77: {  	_ =	shalt  }
0x78: {  	_ =	shalt  }
0x79: {  	_ =	shalt  }
0x7a: {  	_ =	shalt  }
0x7b: {  	_ =	shalt  }
0x7c: {  	_ =	shalt  }
0x7d: {  	_ =	shalt  }
0x7e: {  	_ =	shalt  }
0x7f: {  	_ =	shalt  }
0x80: {  	_ =	shalt  }
0x81: {  	_ =	shalt  }
0x82: {  	_ =	shalt  }
0x83: {  	_ =	shalt  }
0x84: {  	_ =	shalt  }
0x85: {  	_ =	shalt  }
0x86: {  	_ =	shalt  }
0x87: {  	_ =	shalt  }
.Lfunc_end0:
.L_simem_size_0:
called_computation_lowered:
.L_overlay_start_0:
0x88: {  	s2 =	sld [smem:$0x3FD9]  }
0x89: {  	s3 =	sld [smem:$0x3FFE];
	_ =	sdelay $0x1  }
0x8a: {  	s1 =	srdreg.scid  }
0x8b: {  	s0 =	sand.u32 $0x1, s1  }
0x8c: {  	s17 =	sshll.u32 s0, $0xA;
	s2 =	sadd.s32 s3, s2  }
0x8d: {  	s2 =	sadd.s32 s2, s17  }
0x8e: {  	[smem:$0x3FAD] =	sst s2  }
0x8f: {  	_ = 	snop  }
0x90: {  	s2 =	sld [smem:$0x3FC9];
	(tm) =	ssettm $0x1  }
0x91: {  	s18 =	sld [smem:$0x3FFB];
	_ =	sdelay $0x3  }
0x92: {  	_ =	strace s18  }
0x93: {  	s3 =	sld [smem:$0x3FFC];
	_ =	sdelay $0x3  }
0x94: {  	_ =	strace s3  }
0x95: {  	s3 =	sld [smem:$0x3FFD];
	_ =	sdelay $0x3  }
0x96: {  	_ =	strace s3  }
0x97: {  	_ =	strace $0x8FFFFFFF  }
0x98: {  	s19 =	sld [smem:$0x3FDB];
	_ =	sdelay $0x1  }
0x99: {  	s4 =	simm.s32 $_scs_section_size  }
0x9a: {  	s5 =	simm.s32 $_size__tile_overlayer_lowered;
	s6 =	simm.s32 $_tile_overlayer_lowered  }
0x9b: {  	s22 =	simm.s32 $0x1BFF;
	s21 =	sshll.u32 s6, $0x1;
	s3 =	sadd.s32 s4, s19  }
0x9c: {  	s7 =	simm.s32 $0x0;
	s20 =	sshll.u32 s5, $0x1;
	s5 =	sadd.s32 s21, s3  }
0x9d: {  	[timem:s7], [sflag:s22] =	dma.local [hbm:s5], s20  }
0x9e: {  	_ =	swait.ge [sflag:s22], s20  }
0x9f: {  	s4 =	ssub.s32 $0x0, s20;
	[sflag:s22] =	ssyncset.done $0x0  }
0xa0: {  	[sflag:s22] =	ssyncadd.s32 s4;
	_ =	sdelay $0x1  }
0xa1: {  	s23 =	simm.s32 $0x1B8B  }
0xa2: {  	_ =	swait.ge [sflag:s23], $0x1  }
0xa3: {  	[sflag:s23] =	ssyncset.done $0x0  }
0xa4: {  	s25 =	simm.s32 $0x1B8E;
	s24 =	sld [smem:$0x3FFE];
	[sflag:s23] =	ssyncadd.s32 $0xFFFFFFFF  }
0xa5: {  	s26 =	simm.s32 $execute0_lowered;
	[smem:$0x3FD2] =	sst s25  }
0xa6: {  	s5 =	sshll.u32 s26, $0x1;
	_ =	strace $0x80000046;
	[dreg:$0x1] =	wrdreg $0xFFFFFFFF  }
0xa7: {  	s28 =	simm.s32 $_size_execute0_lowered;
	s3 =	sadd.s32 s3, s5;
	[dreg:$0x0] =	wrdreg $0x0  }
0xa8: {  	s5 =	sshll.u32 s28, $0x1;
	[dreg:$0x2] =	wrdreg s3  }
0xa9: {  	[dreg:$0x3] =	wrdreg s5  }
0xaa: {  	[dreg:$0x4] =	wrdreg $0xC0  }
0xab: {  	_ =	task [dreg:s7], $0x5FFFF  }
0xac: {  	[dreg:$0x1] =	wrdreg $0xFFFFFFFF  }
0xad: {  	[dreg:$0x0] =	wrdreg $0x60  }
0xae: {  	[dreg:$0x2] =	wrdreg s2  }
0xaf: {  	[dreg:$0x3] =	wrdreg s24  }
0xb0: {  	[dreg:$0x4] =	wrdreg $0x87000  }
0xb1: {  	[dreg:$0x5] =	wrdreg $0x9  }
0xb2: {  	_ =	task.clear_ibuf [dreg:s7], $0x6FFFF;
	_ =	strace $0x90000046  }
0xb3: {  	s29 =	simm.s32 $0x9;
	_ =	strace $0x80000048  }
0xb4: {  	_ =	swait.ge [sflag:s29], $0x1  }
0xb5: {  	[sflag:s29] =	ssyncadd.s32 $0xFFFFFFFF  }
0xb6: {  	_ =	strace $0x90000048  }
0xb7: {  	_ =	sfence  }
0xb8: {  	s30 =	sld [smem:$0x0];
	_ =	sdelay $0x2  }
0xb9: {  	s31 =	sshll.u32 s1, $0xD;
	s1 =	sshrl.u32 s1, $0x2  }
0xba: {  	s3 =	sand.u32 $0x4000, s31;
	s1 =	sadd.s32 s1, s30  }
0xbb: {  	s0 =	sor.u32 s3, s0;
	s1 =	sshll.u32 s1, $0x11  }
0xbc: {  	s0 =	sor.u32 s1, s0  }
0xbd: {  	s0 =	sadd.s32 $0x8F2B, s0  }
0xbe: {  	[sflag:s0] =	ssyncadd.remote.s32 $0x1  }
0xbf: {  	_ =	sfence.sel $0xFFFF  }
0xc0: {  	[dreg:$0x0] =	wrdreg $0xFFFFFFFF;
	(pc) =	sbr.abs _section_cstart, $3  }
0xc1: {  	[dreg:$0x1] =	wrdreg $0xFFFFFFFF  }
0xc2: {  	_ =	task.clear_ibuf [dreg:s7], $0x2FFFF;
	_ =	strace $0x9FFFFFFF  }
0xc3: {  	(tm) =	ssettm $0x7FFFFFFF  }
tec
execute0_lowered:
.L_overlay_start_1:
0x0: {  	(tag) =	ssettag $0x1  }
0x1: {  	s2 =	rddreg [dreg:$0x0]  }
0x2: {  	s0 =	rddreg [dreg:$0x1]  }
0x3: {  	s3 =	rddreg [dreg:$0x2]  }
0x4: {  	s12 =	stileid.u32;
	s1 =	srdreg.scid  }
0x5: {  	s4 =	simm.s32 $0x0;
	s28 =	simm.s32 $0x80;
	s31 =	simm.s32 $0x100  }
0x6: {  	s29 =	simm.s32 $0x1;
	s30 =	simm.s32 $0x3;
	s7 =	smul.u32 $0x14000, s12  }
0x7: {  	s1 =	sand.u32 $0x1, s1;
	[smem:$0x7FF] =	sst s4;
	s14 =	smul.u32 $0x50000, s12  }
0x8: {  	s5 =	sadd.s32 $0x6000, s0;
	s6 =	sadd.s32 $0xFE00, s0;
	s19 =	smul.u32 $0x4E60, s12  }
0x9: {  	s10 =	sshll.u32 s12, $0x1;
	s16 =	sshll.u32 s12, $0x6;
	s8 =	smul.u32 $0x140000, s1  }
0xa: {  	_ =	strace $0x80000047;
	s15 =	ssub.s32 $0x2, s1;
	s10 =	sor.u32 s1, s10  }
0xb: {  	s1 =	smul.u32 $0x2730, s1;
	s9 =	sshrl.u32 s7, $0x3;
	s11 =	sshrl.u32 s15, $0x1  }
0xc: {  	s10 =	smul.u32 $0x2730, s10;
	s9 =	sadd.s32 s9, s0;
	s7 =	sadd.s32 s7, s8  }
0xd: {  	s8 =	sshrl.u32 s14, $0x2;
	s1 =	sadd.s32 s1, s19;
	s7 =	sshrl.u32 s7, $0x3  }
0xe: {  	s8 =	sadd.s32 s8, s3;
	s9 =	sadd.s32 $0x19C00, s9;
	s17 =	sshrl.u32 s10, $0x3  }
0xf: {  	s10 =	sadd.s32 $0x58, s10;
	s23 =	sadd.s32 $0x1B8, s1;
	s24 =	sadd.s32 $0x160, s1  }
0x10: {  	s26 =	sadd.s32 $0x108, s1;
	s1 =	simm.s32 $0x5B00;
	[dreg:$0x4] =	wrdreg s8  }
0x11: {  	s0 =	sadd.s32 s7, s0;
	s7 =	ssub.s32 s15, s11;
	[dreg:$0x5] =	wrdreg s9  }
0x12: {  	s9 =	sor.u32 $0x1C04, s16;
	s18 =	sadd.s32 s5, s17;
	[dreg:$0xe] =	wrdreg s26  }
0x13: {  	s20 =	sadd.s32 s6, s17;
	s10 =	sshrl.u32 s10, $0x3;
	[dreg:$0x6] =	wrdreg s18  }
0x14: {  	s8 =	sadd.s32 $0x16, s17;
	[dreg:$0x7] =	wrdreg s20;
	s21 =	sadd.s32 s5, s10  }
0x15: {  	s25 =	sshrl.u32 s24, $0x3;
	s10 =	sadd.s32 s6, s10;
	[dreg:$0x8] =	wrdreg s21  }
0x16: {  	s24 =	simm.s32 $0x180;
	s22 =	sadd.s32 s5, s8;
	[dreg:$0x9] =	wrdreg s10  }
0x17: {  	s26 =	simm.s32 $0x300;
	s8 =	sadd.s32 s6, s8;
	[dreg:$0xa] =	wrdreg s22  }
.Ltmp0:
0x18: {  	s0 =	sadd.s32 $0x41C00, s0;
	[dreg:$0xb] =	wrdreg s8;
	(pc) =	sbr.rel .LBB2_1-.Ltmp0, $4  }
0x19: {  	s7 =	smax.u32 s7, $0x1;
	s20 =	sadd.s32 s25, s6;
	[dreg:$0xc] =	wrdreg s0  }
0x1a: {  	[dreg:$0xd] =	wrdreg s7;
	s0 =	sshrl.u32 s23, $0x3;
	s21 =	sadd.s32 s25, s5  }
0x1b: {  	s23 =	simm.s32 $0x4;
	s25 =	simm.s32 $0x58;
	s7 =	simm.s32 $0x0  }
0x1c: {  	s18 =	sadd.s32 s0, s6;
	s19 =	sadd.s32 s0, s5;
	s0 =	simm.s32 $0x280  }
.LBB2_4:
0x1d: {  	[bflag:$0x0] =	sbarrier.arrive $0xFFFF  }
0x1e: {  	s10 =	rddreg [dreg:$0xc]  }
0x1f: {  	[hbm:s10], [sflag:s9] =	dma.local [spmem:s8], $0x2800  }
0x20: {  	_ =	swait.ge [sflag:s23], $0x2800  }
0x21: {  	s7 =	sadd.s32 $0x1, s7;
	s22 =	rddreg [dreg:$0xd]  }
0x22: {  	p0 =	sne.s32 s7, s22  }
.Ltmp1:
0x23: {  	_ = 	snop;
	(pc) =	sbr.rel @!p0 .LBB2_5-.Ltmp1, $3  }
0x24: {  	_ =	sdelay $0x1  }
0x25: {  	[sflag:s23] =	ssyncset.done $0x0  }
0x26: {  	[sflag:s23] =	ssyncadd.s32 $0xFFFFD800  }
.LBB2_1:
0x27: {  	s8 =	rddreg [dreg:$0x4]  }
0x28: {  	s10 =	rddreg [dreg:$0x5];
	s8 =	sshrl.u32 s8, $0x3  }
0x29: {  	[spmem:s8], [sflag:s9] =	dma.local [hbm:s10], $0x2800  }
0x2a: {  	_ =	swait.ge [sflag:s23], $0x2800  }
0x2b: {  	[sflag:s23] =	ssyncset.done $0x0  }
0x2c: {  	[sflag:s23] =	ssyncadd.s32 $0xFFFFD800  }
0x2d: {  	[bflag:$0x0] =	sbarrier.arrive $0xFFFF  }
0x2e: {  	s12 =	rddreg [dreg:$0x6]  }
0x2f: {  	[tilespmem:s4], [sflag:$0x4] =	stream.linear.gather [hbm4b:s12+s4], $0x58, $0x38;
	[tilespmem:$0x1C700] =	vst v63  }
0x30: {  	_ =	swait.ge [sflag:s23], $0x58  }
0x31: {  	[sflag:s23] =	ssyncset.done $0x0  }
0x32: {  	s13 =	rddreg [dreg:$0x7];
	[sflag:s23] =	ssyncadd.s32 $0xFFFFFFA8  }
0x33: {  	[tilespmem:s24], [sflag:$0x4] =	stream.linear.gather [hbm4b:s13+s4], $0x58, $0x38;
	[tilespmem:$0x1C700] =	vst v63  }
0x34: {  	_ =	swait.ge [sflag:s23], $0x58  }
0x35: {  	[sflag:s23] =	ssyncset.done $0x0  }
0x36: {  	[sflag:s23] =	ssyncadd.s32 $0xFFFFFFA8  }
0x37: {  	[tilespmem:s26], [sflag:$0x1] =	stream.indirect.gather [hbm4b:s2+s25], $0x80, s4, s25, $0xb8;
	[tilespmem:$0x1C700] =	vst v63  }
0x38: {  	s14 =	rddreg [dreg:$0x8]  }
0x39: {  	[tilespmem:s28], [sflag:$0x4] =	stream.linear.gather [hbm4b:s14+s4], $0x58, $0x38;
	[tilespmem:$0x1C700] =	vst v63  }
0x3a: {  	_ =	swait.ge [sflag:s23], $0x58  }
0x3b: {  	[sflag:s23] =	ssyncset.done $0x0  }
0x3c: {  	s11 =	simm.s32 $0x200;
	s15 =	rddreg [dreg:$0x9];
	[sflag:s23] =	ssyncadd.s32 $0xFFFFFFA8  }
0x3d: {  	[tilespmem:s11], [sflag:$0x4] =	stream.linear.gather [hbm4b:s15+s4], $0x58, $0x38;
	[tilespmem:$0x1C700] =	vst v63  }
0x3e: {  	_ =	swait.ge [sflag:s23], $0x58  }
0x3f: {  	[sflag:s23] =	ssyncset.done $0x0  }
0x40: {  	s16 =	simm.s32 $0x2F00;
	[sflag:s23] =	ssyncadd.s32 $0xFFFFFFA8  }
0x41: {  	[tilespmem:s16], [sflag:$0x2] =	stream.indirect.gather [hbm4b:s2+s25], $0x80, s28, s25, $0xb8;
	[tilespmem:$0x1C700] =	vst v63  }
0x42: {  	s17 =	rddreg [dreg:$0xa]  }
0x43: {  	[tilespmem:s31], [sflag:$0x4] =	stream.linear.gather [hbm4b:s17+s4], $0x58, $0x38;
	[tilespmem:$0x1C700] =	vst v63  }
0x44: {  	_ =	swait.ge [sflag:s23], $0x58  }
0x45: {  	[sflag:s23] =	ssyncset.done $0x0  }
0x46: {  	s22 =	rddreg [dreg:$0xb];
	[sflag:s23] =	ssyncadd.s32 $0xFFFFFFA8  }
0x47: {  	[tilespmem:s0], [sflag:$0x4] =	stream.linear.gather [hbm4b:s22+s4], $0x58, $0x38;
	[tilespmem:$0x1C700] =	vst v63  }
0x48: {  	_ =	swait.ge [sflag:s23], $0x58  }
0x49: {  	[sflag:s23] =	ssyncset.done $0x0  }
0x4a: {  	s11 =	simm.s32 $0x0;
	s22 =	rddreg [dreg:$0xe];
	[sflag:s23] =	ssyncadd.s32 $0xFFFFFFA8  }
0x4b: {  	[tilespmem:s1], [sflag:$0x3] =	stream.indirect.gather [hbm4b:s2+s25], $0x80, s31, s25, $0xb8;
	[tilespmem:$0x1C700] =	vst v63  }
.LBB2_2:
0x4c: {  	_ =	swait.ge [sflag:s29], $0x2C00  }
0x4d: {  	[sflag:s29] =	ssyncset.done $0x0  }
0x4e: {  	[sflag:s29] =	ssyncadd.s32 $0xFFFFD400  }
0x4f: {  	[spmem:s3] =	stream.indirect.scatter.add.f32 [tilespmem:s26], [sflag:$0x4], $0x80, s24, s25, $0xb8;
	[tilespmem:$0x1C700] =	vst v63  }
0x50: {  	_ =	swait.ge [sflag:s23], $0x2C00  }
0x51: {  	p0 =	seq.s32 s11, $0x4C5;
	[sflag:s23] =	ssyncset.done $0x0  }
0x52: {  	s12 =	simm.s32 @p0 $0x2;
	[sflag:s23] =	ssyncadd.s32 $0xFFFFD400  }
0x53: {  	_ =	swait.ge @p0 [sflag:s12], $0x2C00  }
0x54: {  	s13 =	simm.s32 @p0 $0x200;
	[sflag:s12] =	ssyncset.done @p0 $0x0  }
0x55: {  	s14 =	simm.s32 @p0 $0x2F00;
	[sflag:s12] =	ssyncadd.s32 @p0 $0xFFFFD400;
	s12 =	simm.s32 @p0 $0x58  }
0x56: {  	[spmem:s3] =	stream.indirect.scatter.add.f32 @p0 [tilespmem:s14], [sflag:$0x4], $0x80, s13, s12, $0xb8;
	[tilespmem:$0x1C700] =	vst v63  }
0x57: {  	s12 =	simm.s32 @p0 $0x4  }
0x58: {  	_ =	swait.ge @p0 [sflag:s12], $0x2C00  }
0x59: {  	s13 =	sshrl.u32 @!p0 s22, $0x3;
	[sflag:s12] =	ssyncset.done @p0 $0x0  }
0x5a: {  	s14 =	simm.s32 @!p0 $0x0;
	[sflag:s12] =	ssyncadd.s32 @p0 $0xFFFFD400;
	s12 =	sadd.s32 @!p0 s5, s13  }
0x5b: {  	[tilespmem:s14], [sflag:$0x4] =	stream.linear.gather @!p0 [hbm4b:s12+s14], $0x58, $0x38;
	[tilespmem:$0x1C700] =	vst v63  }
0x5c: {  	s12 =	simm.s32 @!p0 $0x4  }
0x5d: {  	_ =	swait.ge @!p0 [sflag:s12], $0x58  }
0x5e: {  	[sflag:s12] =	ssyncset.done @!p0 $0x0  }
0x5f: {  	s15 =	simm.s32 @!p0 $0x180;
	s13 =	sadd.s32 @!p0 s6, s13;
	[sflag:s12] =	ssyncadd.s32 @!p0 $0xFFFFFFA8  }
0x60: {  	[tilespmem:s15], [sflag:$0x4] =	stream.linear.gather @!p0 [hbm4b:s13+s14], $0x58, $0x38;
	[tilespmem:$0x1C700] =	vst v63  }
0x61: {  	_ =	swait.ge @!p0 [sflag:s12], $0x58  }
0x62: {  	[sflag:s12] =	ssyncset.done @!p0 $0x0  }
0x63: {  	s13 =	simm.s32 @!p0 $0x58;
	s15 =	simm.s32 @!p0 $0x300;
	[sflag:s12] =	ssyncadd.s32 @!p0 $0xFFFFFFA8  }
0x64: {  	[tilespmem:s15], [sflag:$0x1] =	stream.indirect.gather @!p0 [hbm4b:s2+s13], $0x80, s14, s13, $0xb8;
	[tilespmem:$0x1C700] =	vst v63  }
0x65: {  	s15 =	simm.s32 @!p0 $0x2  }
0x66: {  	_ =	swait.ge @!p0 [sflag:s15], $0x2C00  }
0x67: {  	[sflag:s15] =	ssyncset.done @!p0 $0x0  }
0x68: {  	s16 =	simm.s32 @!p0 $0x2F00;
	[sflag:s15] =	ssyncadd.s32 @!p0 $0xFFFFD400;
	s15 =	simm.s32 @!p0 $0x200  }
0x69: {  	[spmem:s3] =	stream.indirect.scatter.add.f32 @!p0 [tilespmem:s16], [sflag:$0x4], $0x80, s15, s13, $0xb8;
	[tilespmem:$0x1C700] =	vst v63  }
0x6a: {  	_ =	swait.ge @!p0 [sflag:s12], $0x2C00  }
0x6b: {  	[sflag:s12] =	ssyncset.done @!p0 $0x0  }
0x6c: {  	s17 =	sadd.s32 @!p0 s11, s21;
	s10 =	simm.s32 @!p0 $0x80;
	[sflag:s12] =	ssyncadd.s32 @!p0 $0xFFFFD400  }
0x6d: {  	[tilespmem:s10], [sflag:$0x4] =	stream.linear.gather @!p0 [hbm4b:s17+s14], $0x58, $0x38;
	[tilespmem:$0x1C700] =	vst v63  }
0x6e: {  	_ =	swait.ge @!p0 [sflag:s12], $0x58  }
0x6f: {  	[sflag:s12] =	ssyncset.done @!p0 $0x0  }
0x70: {  	s17 =	sadd.s32 @!p0 s11, s20;
	[sflag:s12] =	ssyncadd.s32 @!p0 $0xFFFFFFA8  }
0x71: {  	[tilespmem:s15], [sflag:$0x4] =	stream.linear.gather @!p0 [hbm4b:s17+s14], $0x58, $0x38;
	[tilespmem:$0x1C700] =	vst v63  }
0x72: {  	_ =	swait.ge @!p0 [sflag:s12], $0x58  }
0x73: {  	[sflag:s12] =	ssyncset.done @!p0 $0x0  }
0x74: {  	[sflag:s12] =	ssyncadd.s32 @!p0 $0xFFFFFFA8  }
0x75: {  	[tilespmem:s16], [sflag:$0x2] =	stream.indirect.gather @!p0 [hbm4b:s2+s13], $0x80, s10, s13, $0xb8;
	[tilespmem:$0x1C700] =	vst v63  }
0x76: {  	_ =	swait.ge [sflag:s30], $0x2C00  }
0x77: {  	[sflag:s30] =	ssyncset.done $0x0  }
.Ltmp2:
0x78: {  	[sflag:s30] =	ssyncadd.s32 $0xFFFFD400;
	(pc) =	sbr.rel @p0 .LBB2_4-.Ltmp2, $4  }
0x79: {  	[spmem:s3] =	stream.indirect.scatter.add.f32 [tilespmem:s1], [sflag:$0x4], $0x80, s0, s25, $0xb8;
	[tilespmem:$0x1C700] =	vst v63  }
0x7a: {  	_ =	swait.ge [sflag:s23], $0x2C00  }
0x7b: {  	[sflag:s23] =	ssyncset.done $0x0  }
0x7c: {  	[sflag:s23] =	ssyncadd.s32 $0xFFFFD400  }
0x7d: {  	s10 =	sadd.s32 s11, s19  }
0x7e: {  	[tilespmem:s31], [sflag:$0x4] =	stream.linear.gather [hbm4b:s10+s4], $0x58, $0x38;
	[tilespmem:$0x1C700] =	vst v63  }
0x7f: {  	_ =	swait.ge [sflag:s23], $0x58  }
0x80: {  	[sflag:s23] =	ssyncset.done $0x0  }
0x81: {  	s17 =	sadd.s32 s11, s18;
	[sflag:s23] =	ssyncadd.s32 $0xFFFFFFA8  }
0x82: {  	[tilespmem:s0], [sflag:$0x4] =	stream.linear.gather [hbm4b:s17+s4], $0x58, $0x38;
	[tilespmem:$0x1C700] =	vst v63  }
.Ltmp3:
0x83: {  	_ = 	snop;
	(pc) =	sbr.rel .LBB2_2-.Ltmp3, $4  }
0x84: {  	_ =	swait.ge [sflag:s23], $0x58  }
0x85: {  	[sflag:s23] =	ssyncset.done $0x0  }
0x86: {  	s11 =	sadd.s32 $0x21, s11;
	s22 =	sadd.s32 $0x108, s22;
	[sflag:s23] =	ssyncadd.s32 $0xFFFFFFA8  }
0x87: {  	[tilespmem:s1], [sflag:$0x3] =	stream.indirect.gather [hbm4b:s2+s25], $0x80, s31, s25, $0xb8;
	[tilespmem:$0x1C700] =	vst v63  }
.LBB2_5:
0x88: {  	_ =	sfence.sel $0x180000  }
0x89: {  	[bflag:$0x0] =	sbarrier.arrive $0xFFFF  }
0x8a: {  	_ =	strace $0x90000047  }
0x8b: {  	s0 =	stileid.u32;
	[bflag:$0x2] =	sbarrier.arrive $0xFFFF  }
0x8c: {  	p0 =	sne.s32 s0, $0x0;
	s0 =	rddreg [dreg:$0x3]  }
0x8d: {  	s0 =	sadd.s32 @!p0 $0x100000, s0  }
0x8e: {  	[sflag:s0] =	ssyncadd.tile.s32 @!p0 $0x1;
	_ =	shalt  }
.Lfunc_end2:
_tile_overlayer_lowered:
.L_overlay_start_2:
0x8f: {  	(tag) =	ssettag $0x2  }
0x90: {  	s0 =	rddreg [dreg:$0x0];
	s2 =	stileid.u32  }
0x91: {  	s1 =	rddreg [dreg:$0x1];
	p0 =	sne.s32 s2, $0x0  }
0x92: {  	s3 =	rddreg [dreg:$0x2];
	[bflag:$0x3] =	sbarrier.arrive $0xFFFF;
	s2 =	simm.s32 @!p0 $0x1C04  }
0x93: {  	[timem:s3], [sflag:s2] =	dma.local @!p0 [hbm:s0], s1  }
0x94: {  	s0 =	simm.s32 @!p0 $0x4  }
0x95: {  	_ =	swait.ge @!p0 [sflag:s0], s1  }
0x96: {  	s1 =	ssub.s32 @!p0 $0x0, s1;
	[sflag:s0] =	ssyncset.done @!p0 $0x0  }
0x97: {  	[sflag:s0] =	ssyncadd.s32 @!p0 s1  }
0x98: {  	[bflag:$0x3] =	sbarrier.arrive $0xFFFF  }
0x99: {  	_ =	shalt  }

</sc_bundles>
